<compile_context>
chip_gen: v7x
topology: tpu7x:2x2x1
jax: 0.10.2.dev20260603
libtpu: 0.0.44.dev20260713+nightly
codegen_flags: <defaults>
</compile_context>

<pallas_src>
import functools

import jax
import jax.numpy as jnp
from jax import lax
from jax.experimental import pallas as pl
from jax.experimental.pallas import tpu as pltpu
from jax.experimental.pallas import tpu_sc as plsc

NC = 2
NS = 16
NW = NC * NS

CHUNK = 1250
NSLOT = 3


@functools.partial(jax.jit, static_argnames=("n_total", "depth"))
def _gather_sc(idx_flat, table, n_total, depth):
    n_chunks = n_total // CHUNK
    per_w = n_chunks // NW
    mesh = plsc.VectorSubcoreMesh(core_axis_name="c", subcore_axis_name="s")

    @functools.partial(
        pl.kernel,
        out_type=jax.ShapeDtypeStruct((n_total, depth), jnp.float32),
        mesh=mesh,
        scratch_types=[
            pltpu.VMEM((NSLOT, CHUNK), jnp.int32),
            pltpu.VMEM((NSLOT, CHUNK, depth), jnp.float32),
            [pltpu.SemaphoreType.DMA] * NSLOT,
            [pltpu.SemaphoreType.DMA] * NSLOT,
            [pltpu.SemaphoreType.DMA] * NSLOT,
        ],
        compiler_params=pltpu.CompilerParams(use_tc_tiling_on_sc=False),
    )
    def k(idx_hbm, table_hbm, out_hbm, idx_v, rows_v, si, sg, st):
        wid = lax.axis_index("s") * NC + lax.axis_index("c")

        def fire_idx(i, b):
            pltpu.async_copy(idx_hbm.at[wid + i * NW], idx_v.at[b], si[b])

        def wait_idx(b):
            pltpu.make_async_copy(idx_hbm.at[0], idx_v.at[b], si[b]).wait()

        def fire_gather(b):
            pltpu.async_copy(table_hbm.at[idx_v.at[b]], rows_v.at[b], sg[b])

        def wait_gather(b):
            pltpu.make_async_copy(table_hbm.at[idx_v.at[b]], rows_v.at[b],
                                  sg[b]).wait()

        def fire_store(i, b):
            pltpu.async_copy(rows_v.at[b], out_hbm.at[idx_v.at[b]], st[b])

        def wait_store(b):
            pltpu.make_async_copy(
                rows_v.at[b], out_hbm.at[idx_v.at[b]], st[b]).wait()

        for j in range(min(NSLOT, per_w)):
            fire_idx(j, j)
        wait_idx(0)
        fire_gather(0)

        for i in range(per_w):
            b = i % NSLOT
            if i + 1 < per_w:
                nb = (i + 1) % NSLOT
                wait_idx(nb)
                if i + 1 >= NSLOT:
                    wait_store(nb)
                fire_gather(nb)
            wait_gather(b)
            if i + NSLOT < per_w:
                fire_idx(i + NSLOT, b)
            fire_store(i, b)

        for j in range(min(NSLOT, per_w)):
            wait_store(j)

    return k(idx_flat.reshape(n_chunks, CHUNK), table)


def kernel(inputs, lookup_table):
    b, n, _ = inputs.shape
    n_rows, depth = lookup_table.shape
    idx_flat = inputs.reshape(b * n)
    out = _gather_sc(idx_flat, lookup_table, b * n, depth)
    return out.reshape(b, n, depth)

# --- scband reference (transcript-rebuilt; emitter-appended) ---
"""Pipeline reference for scband-lookup-11879879543455 (READ-ONLY COPY).

The authoritative reference and input builder live on the scoring server;
editing this copy changes nothing except your own understanding.
"""

import jax, jax.numpy as jnp
import numpy as np

N_ROWS = 100000
DEPTH = 32
BATCH = 4

def setup_inputs(seed: int = 0) -> dict:
    key = jax.random.key(seed)
    k_idx, k_tab = jax.random.split(key)
    inputs = jax.random.randint(k_idx, (BATCH, N_ROWS, 1), 0, N_ROWS, dtype=jnp.int32)
    # Learned parameter created in Lookup.build(): shape input_shape[1:-1] + [depth] = [N_ROWS, DEPTH]
    lookup_table = jax.random.normal(k_tab, (N_ROWS, DEPTH), dtype=jnp.float32)
    return {"inputs": inputs, "lookup_table": lookup_table}

def reference(inputs, lookup_table):
    # tf.gather_nd(params=lookup_table[N, depth], indices=inputs[B, N, 1])
    # indices last dim K=1 indexes the first axis of params ->
    # output shape = indices.shape[:-1] + params.shape[1:] = [B, N, depth]
    idx = inputs[..., 0]
    entries = jnp.take(lookup_table, idx, axis=0)
    return entries

if __name__ == "__main__":
    import jax
    _d = setup_inputs()
    print(jax.jit(kernel)(*tuple(_d.values())))

</pallas_src>

<mosaic_0001>
#map = affine_map<(d0, d1) -> (0, 0)>
module attributes {stable_mosaic.version = 14 : i64} {
  func.func @k(%arg0: i32, %arg1: i32, %arg2: memref<320x1250xi32, #tpu.memory_space<hbm>>, %arg3: memref<100000x32xf32, #tpu.memory_space<hbm>>, %arg4: memref<400000x32xf32, #tpu.memory_space<hbm>>, %arg5: memref<3x1250xi32, #tpu.memory_space<vmem>>, %arg6: memref<3x1250x32xf32, #tpu.memory_space<vmem>>, %arg7: memref<!tpu.dma_semaphore, #tpu.memory_space<semaphore_mem>>, %arg8: memref<!tpu.dma_semaphore, #tpu.memory_space<semaphore_mem>>, %arg9: memref<!tpu.dma_semaphore, #tpu.memory_space<semaphore_mem>>, %arg10: memref<!tpu.dma_semaphore, #tpu.memory_space<semaphore_mem>>, %arg11: memref<!tpu.dma_semaphore, #tpu.memory_space<semaphore_mem>>, %arg12: memref<!tpu.dma_semaphore, #tpu.memory_space<semaphore_mem>>, %arg13: memref<!tpu.dma_semaphore, #tpu.memory_space<semaphore_mem>>, %arg14: memref<!tpu.dma_semaphore, #tpu.memory_space<semaphore_mem>>, %arg15: memref<!tpu.dma_semaphore, #tpu.memory_space<semaphore_mem>>) attributes {dimension_semantics = [#tpu.dimension_semantics<core_parallel>, #tpu.dimension_semantics<subcore_parallel>], iteration_bounds = array<i64: 2, 16>, scalar_prefetch = 0 : i64, scratch_operands = 11 : i64, tpu.core_type = #tpu.core_type<sc_vector_subcore>, window_params = [{transform_indices = #map}, {transform_indices = #map}, {transform_indices = #map}]} {
    %mul3A = arith.constant 2 : i32
    %mul3A_0 = arith.muli %arg1, %mul3A : i32
    %add3A = arith.addi %mul3A_0, %arg0 : i32
    %add3A_1 = arith.constant 0 : i32
    %add3A_2 = arith.addi %add3A, %add3A_1 : i32
    %dma_start3A = arith.constant 0 : i32
    %dma_start3A_3 = arith.constant 0 : i32
    %dma_start3A_4 = tpu.memref_slice %arg5[%dma_start3A, %dma_start3A_3] : memref<3x1250xi32, #tpu.memory_space<vmem>> -> memref<1x1250xi32, #tpu.memory_space<vmem>>
    %dma_start3A_5 = tpu.memref_squeeze %dma_start3A_4 : memref<1x1250xi32, #tpu.memory_space<vmem>> -> memref<1250xi32, #tpu.memory_space<vmem>>
    %dma_start3A_6 = arith.constant 0 : i32
    %dma_start3A_7 = tpu.memref_slice %arg2[%add3A_2, %dma_start3A_6] : memref<320x1250xi32, #tpu.memory_space<hbm>> -> memref<1x1250xi32, #tpu.memory_space<hbm>>
    %dma_start3A_8 = tpu.memref_squeeze %dma_start3A_7 : memref<1x1250xi32, #tpu.memory_space<hbm>> -> memref<1250xi32, #tpu.memory_space<hbm>>
    %dma_start3A_9 = arith.constant 0 : i32
    %dma_start3A_10 = tpu.memref_slice %arg5[%dma_start3A, %dma_start3A_9] : memref<3x1250xi32, #tpu.memory_space<vmem>> -> memref<1x1250xi32, #tpu.memory_space<vmem>>
    %dma_start3A_11 = tpu.memref_squeeze %dma_start3A_10 : memref<1x1250xi32, #tpu.memory_space<vmem>> -> memref<1250xi32, #tpu.memory_space<vmem>>
    %dma_start3A_12 = arith.constant 0 : i32
    %dma_start3A_13 = tpu.memref_slice %arg2[%add3A_2, %dma_start3A_12] : memref<320x1250xi32, #tpu.memory_space<hbm>> -> memref<1x1250xi32, #tpu.memory_space<hbm>>
    %dma_start3A_14 = tpu.memref_squeeze %dma_start3A_13 : memref<1x1250xi32, #tpu.memory_space<hbm>> -> memref<1250xi32, #tpu.memory_space<hbm>>
    tpu.enqueue_dma source(%dma_start3A_14 : memref<1250xi32, #tpu.memory_space<hbm>>) target(%dma_start3A_11 : memref<1250xi32, #tpu.memory_space<vmem>>) target_semaphore(%arg7 : memref<!tpu.dma_semaphore, #tpu.memory_space<semaphore_mem>>)
    %add3A_15 = arith.constant 32 : i32
    %add3A_16 = arith.addi %add3A, %add3A_15 : i32
    %dma_start3A_17 = arith.constant 1 : i32
    %dma_start3A_18 = arith.constant 0 : i32
    %dma_start3A_19 = tpu.memref_slice %arg5[%dma_start3A_17, %dma_start3A_18] : memref<3x1250xi32, #tpu.memory_space<vmem>> -> memref<1x1250xi32, #tpu.memory_space<vmem>>
    %dma_start3A_20 = tpu.memref_squeeze %dma_start3A_19 : memref<1x1250xi32, #tpu.memory_space<vmem>> -> memref<1250xi32, #tpu.memory_space<vmem>>
    %dma_start3A_21 = arith.constant 0 : i32
    %dma_start3A_22 = tpu.memref_slice %arg2[%add3A_16, %dma_start3A_21] : memref<320x1250xi32, #tpu.memory_space<hbm>> -> memref<1x1250xi32, #tpu.memory_space<hbm>>
    %dma_start3A_23 = tpu.memref_squeeze %dma_start3A_22 : memref<1x1250xi32, #tpu.memory_space<hbm>> -> memref<1250xi32, #tpu.memory_space<hbm>>
    %dma_start3A_24 = arith.constant 0 : i32
    %dma_start3A_25 = tpu.memref_slice %arg5[%dma_start3A_17, %dma_start3A_24] : memref<3x1250xi32, #tpu.memory_space<vmem>> -> memref<1x1250xi32, #tpu.memory_space<vmem>>
    %dma_start3A_26 = tpu.memref_squeeze %dma_start3A_25 : memref<1x1250xi32, #tpu.memory_space<vmem>> -> memref<1250xi32, #tpu.memory_space<vmem>>
    %dma_start3A_27 = arith.constant 0 : i32
    %dma_start3A_28 = tpu.memref_slice %arg2[%add3A_16, %dma_start3A_27] : memref<320x1250xi32, #tpu.memory_space<hbm>> -> memref<1x1250xi32, #tpu.memory_space<hbm>>
    %dma_start3A_29 = tpu.memref_squeeze %dma_start3A_28 : memref<1x1250xi32, #tpu.memory_space<hbm>> -> memref<1250xi32, #tpu.memory_space<hbm>>
    tpu.enqueue_dma source(%dma_start3A_29 : memref<1250xi32, #tpu.memory_space<hbm>>) target(%dma_start3A_26 : memref<1250xi32, #tpu.memory_space<vmem>>) target_semaphore(%arg8 : memref<!tpu.dma_semaphore, #tpu.memory_space<semaphore_mem>>)
    %add3A_30 = arith.constant 64 : i32
    %add3A_31 = arith.addi %add3A, %add3A_30 : i32
    %dma_start3A_32 = arith.constant 2 : i32
    %dma_start3A_33 = arith.constant 0 : i32
    %dma_start3A_34 = tpu.memref_slice %arg5[%dma_start3A_32, %dma_start3A_33] : memref<3x1250xi32, #tpu.memory_space<vmem>> -> memref<1x1250xi32, #tpu.memory_space<vmem>>
    %dma_start3A_35 = tpu.memref_squeeze %dma_start3A_34 : memref<1x1250xi32, #tpu.memory_space<vmem>> -> memref<1250xi32, #tpu.memory_space<vmem>>
    %dma_start3A_36 = arith.constant 0 : i32
    %dma_start3A_37 = tpu.memref_slice %arg2[%add3A_31, %dma_start3A_36] : memref<320x1250xi32, #tpu.memory_space<hbm>> -> memref<1x1250xi32, #tpu.memory_space<hbm>>
    %dma_start3A_38 = tpu.memref_squeeze %dma_start3A_37 : memref<1x1250xi32, #tpu.memory_space<hbm>> -> memref<1250xi32, #tpu.memory_space<hbm>>
    %dma_start3A_39 = arith.constant 0 : i32
    %dma_start3A_40 = tpu.memref_slice %arg5[%dma_start3A_32, %dma_start3A_39] : memref<3x1250xi32, #tpu.memory_space<vmem>> -> memref<1x1250xi32, #tpu.memory_space<vmem>>
    %dma_start3A_41 = tpu.memref_squeeze %dma_start3A_40 : memref<1x1250xi32, #tpu.memory_space<vmem>> -> memref<1250xi32, #tpu.memory_space<vmem>>
    %dma_start3A_42 = arith.constant 0 : i32
    %dma_start3A_43 = tpu.memref_slice %arg2[%add3A_31, %dma_start3A_42] : memref<320x1250xi32, #tpu.memory_space<hbm>> -> memref<1x1250xi32, #tpu.memory_space<hbm>>
    %dma_start3A_44 = tpu.memref_squeeze %dma_start3A_43 : memref<1x1250xi32, #tpu.memory_space<hbm>> -> memref<1250xi32, #tpu.memory_space<hbm>>
    tpu.enqueue_dma source(%dma_start3A_44 : memref<1250xi32, #tpu.memory_space<hbm>>) target(%dma_start3A_41 : memref<1250xi32, #tpu.memory_space<vmem>>) target_semaphore(%arg9 : memref<!tpu.dma_semaphore, #tpu.memory_space<semaphore_mem>>)
    %dma_wait3A = arith.constant 0 : i32
    %dma_wait3A_45 = arith.constant 0 : i32
    %dma_wait3A_46 = arith.constant 0 : i32
    %dma_wait3A_47 = tpu.memref_slice %arg5[%dma_wait3A_45, %dma_wait3A_46] : memref<3x1250xi32, #tpu.memory_space<vmem>> -> memref<1x1250xi32, #tpu.memory_space<vmem>>
    %dma_wait3A_48 = tpu.memref_squeeze %dma_wait3A_47 : memref<1x1250xi32, #tpu.memory_space<vmem>> -> memref<1250xi32, #tpu.memory_space<vmem>>
    %dma_wait3A_49 = arith.constant 0 : i32
    %dma_wait3A_50 = tpu.memref_slice %arg2[%dma_wait3A, %dma_wait3A_49] : memref<320x1250xi32, #tpu.memory_space<hbm>> -> memref<1x1250xi32, #tpu.memory_space<hbm>>
    %dma_wait3A_51 = tpu.memref_squeeze %dma_wait3A_50 : memref<1x1250xi32, #tpu.memory_space<hbm>> -> memref<1250xi32, #tpu.memory_space<hbm>>
    %dma_wait3A_52 = arith.constant 0 : i32
    %dma_wait3A_53 = tpu.memref_slice %arg5[%dma_wait3A_45, %dma_wait3A_52] : memref<3x1250xi32, #tpu.memory_space<vmem>> -> memref<1x1250xi32, #tpu.memory_space<vmem>>
    %dma_wait3A_54 = tpu.memref_squeeze %dma_wait3A_53 : memref<1x1250xi32, #tpu.memory_space<vmem>> -> memref<1250xi32, #tpu.memory_space<vmem>>
    %dma_wait3A_55 = arith.constant 0 : i32
    %dma_wait3A_56 = tpu.memref_slice %arg2[%dma_wait3A, %dma_wait3A_55] : memref<320x1250xi32, #tpu.memory_space<hbm>> -> memref<1x1250xi32, #tpu.memory_space<hbm>>
    %dma_wait3A_57 = tpu.memref_squeeze %dma_wait3A_56 : memref<1x1250xi32, #tpu.memory_space<hbm>> -> memref<1250xi32, #tpu.memory_space<hbm>>
    tpu.wait_dma2 semaphore(%arg7 : memref<!tpu.dma_semaphore, #tpu.memory_space<semaphore_mem>>) src(%dma_wait3A_57 : memref<1250xi32, #tpu.memory_space<hbm>>) dst(%dma_wait3A_54 : memref<1250xi32, #tpu.memory_space<vmem>>)
    %dma_start3A_58 = arith.constant 0 : i32
    %dma_start3A_59 = arith.constant 0 : i32
    %dma_start3A_60 = arith.constant 0 : i32
    %dma_start3A_61 = arith.constant 0 : i32
    %dma_start3A_62 = tpu.memref_slice %arg6[%dma_start3A_59, %dma_start3A_60, %dma_start3A_61] : memref<3x1250x32xf32, #tpu.memory_space<vmem>> -> memref<1x1250x32xf32, #tpu.memory_space<vmem>>
    %dma_start3A_63 = tpu.memref_squeeze %dma_start3A_62 : memref<1x1250x32xf32, #tpu.memory_space<vmem>> -> memref<1250x32xf32, #tpu.memory_space<vmem>>
    %dma_start3A_64 = arith.constant 0 : i32
    %dma_start3A_65 = tpu.memref_slice %arg5[%dma_start3A_58, %dma_start3A_64] : memref<3x1250xi32, #tpu.memory_space<vmem>> -> memref<1x1250xi32, #tpu.memory_space<vmem>>
    %dma_start3A_66 = tpu.memref_squeeze %dma_start3A_65 : memref<1x1250xi32, #tpu.memory_space<vmem>> -> memref<1250xi32, #tpu.memory_space<vmem>>
    %dma_start3A_67 = arith.constant 0 : i32
    %dma_start3A_68 = arith.constant 0 : i32
    %dma_start3A_69 = tpu.memref_slice %arg3[%dma_start3A_67, %dma_start3A_68] : memref<100000x32xf32, #tpu.memory_space<hbm>> -> memref<100000x32xf32, #tpu.memory_space<hbm>>
    tpu.enqueue_indirect_dma source(%dma_start3A_69 : memref<100000x32xf32, #tpu.memory_space<hbm>>) target(%dma_start3A_63 : memref<1250x32xf32, #tpu.memory_space<vmem>>) offsets(%dma_start3A_66 : memref<1250xi32, #tpu.memory_space<vmem>>) semaphore(%arg10 : memref<!tpu.dma_semaphore, #tpu.memory_space<semaphore_mem>>)
    %dma_wait3A_70 = arith.constant 0 : i32
    %dma_wait3A_71 = arith.constant 1 : i32
    %dma_wait3A_72 = arith.constant 0 : i32
    %dma_wait3A_73 = tpu.memref_slice %arg5[%dma_wait3A_71, %dma_wait3A_72] : memref<3x1250xi32, #tpu.memory_space<vmem>> -> memref<1x1250xi32, #tpu.memory_space<vmem>>
    %dma_wait3A_74 = tpu.memref_squeeze %dma_wait3A_73 : memref<1x1250xi32, #tpu.memory_space<vmem>> -> memref<1250xi32, #tpu.memory_space<vmem>>
    %dma_wait3A_75 = arith.constant 0 : i32
    %dma_wait3A_76 = tpu.memref_slice %arg2[%dma_wait3A_70, %dma_wait3A_75] : memref<320x1250xi32, #tpu.memory_space<hbm>> -> memref<1x1250xi32, #tpu.memory_space<hbm>>
    %dma_wait3A_77 = tpu.memref_squeeze %dma_wait3A_76 : memref<1x1250xi32, #tpu.memory_space<hbm>> -> memref<1250xi32, #tpu.memory_space<hbm>>
    %dma_wait3A_78 = arith.constant 0 : i32
    %dma_wait3A_79 = tpu.memref_slice %arg5[%dma_wait3A_71, %dma_wait3A_78] : memref<3x1250xi32, #tpu.memory_space<vmem>> -> memref<1x1250xi32, #tpu.memory_space<vmem>>
    %dma_wait3A_80 = tpu.memref_squeeze %dma_wait3A_79 : memref<1x1250xi32, #tpu.memory_space<vmem>> -> memref<1250xi32, #tpu.memory_space<vmem>>
    %dma_wait3A_81 = arith.constant 0 : i32
    %dma_wait3A_82 = tpu.memref_slice %arg2[%dma_wait3A_70, %dma_wait3A_81] : memref<320x1250xi32, #tpu.memory_space<hbm>> -> memref<1x1250xi32, #tpu.memory_space<hbm>>
    %dma_wait3A_83 = tpu.memref_squeeze %dma_wait3A_82 : memref<1x1250xi32, #tpu.memory_space<hbm>> -> memref<1250xi32, #tpu.memory_space<hbm>>
    tpu.wait_dma2 semaphore(%arg8 : memref<!tpu.dma_semaphore, #tpu.memory_space<semaphore_mem>>) src(%dma_wait3A_83 : memref<1250xi32, #tpu.memory_space<hbm>>) dst(%dma_wait3A_80 : memref<1250xi32, #tpu.memory_space<vmem>>)
    %dma_start3A_84 = arith.constant 1 : i32
    %dma_start3A_85 = arith.constant 1 : i32
    %dma_start3A_86 = arith.constant 0 : i32
    %dma_start3A_87 = arith.constant 0 : i32
    %dma_start3A_88 = tpu.memref_slice %arg6[%dma_start3A_85, %dma_start3A_86, %dma_start3A_87] : memref<3x1250x32xf32, #tpu.memory_space<vmem>> -> memref<1x1250x32xf32, #tpu.memory_space<vmem>>
    %dma_start3A_89 = tpu.memref_squeeze %dma_start3A_88 : memref<1x1250x32xf32, #tpu.memory_space<vmem>> -> memref<1250x32xf32, #tpu.memory_space<vmem>>
    %dma_start3A_90 = arith.constant 0 : i32
    %dma_start3A_91 = tpu.memref_slice %arg5[%dma_start3A_84, %dma_start3A_90] : memref<3x1250xi32, #tpu.memory_space<vmem>> -> memref<1x1250xi32, #tpu.memory_space<vmem>>
    %dma_start3A_92 = tpu.memref_squeeze %dma_start3A_91 : memref<1x1250xi32, #tpu.memory_space<vmem>> -> memref<1250xi32, #tpu.memory_space<vmem>>
    %dma_start3A_93 = arith.constant 0 : i32
    %dma_start3A_94 = arith.constant 0 : i32
    %dma_start3A_95 = tpu.memref_slice %arg3[%dma_start3A_93, %dma_start3A_94] : memref<100000x32xf32, #tpu.memory_space<hbm>> -> memref<100000x32xf32, #tpu.memory_space<hbm>>
    tpu.enqueue_indirect_dma source(%dma_start3A_95 : memref<100000x32xf32, #tpu.memory_space<hbm>>) target(%dma_start3A_89 : memref<1250x32xf32, #tpu.memory_space<vmem>>) offsets(%dma_start3A_92 : memref<1250xi32, #tpu.memory_space<vmem>>) semaphore(%arg11 : memref<!tpu.dma_semaphore, #tpu.memory_space<semaphore_mem>>)
    %dma_wait3A_96 = arith.constant 0 : i32
    %dma_wait3A_97 = arith.constant 0 : i32
    %dma_wait3A_98 = arith.constant 0 : i32
    %dma_wait3A_99 = arith.constant 0 : i32
    %dma_wait3A_100 = tpu.memref_slice %arg6[%dma_wait3A_97, %dma_wait3A_98, %dma_wait3A_99] : memref<3x1250x32xf32, #tpu.memory_space<vmem>> -> memref<1x1250x32xf32, #tpu.memory_space<vmem>>
    %dma_wait3A_101 = tpu.memref_squeeze %dma_wait3A_100 : memref<1x1250x32xf32, #tpu.memory_space<vmem>> -> memref<1250x32xf32, #tpu.memory_space<vmem>>
    %dma_wait3A_102 = arith.constant 0 : i32
    %dma_wait3A_103 = tpu.memref_slice %arg5[%dma_wait3A_96, %dma_wait3A_102] : memref<3x1250xi32, #tpu.memory_space<vmem>> -> memref<1x1250xi32, #tpu.memory_space<vmem>>
    %dma_wait3A_104 = tpu.memref_squeeze %dma_wait3A_103 : memref<1x1250xi32, #tpu.memory_space<vmem>> -> memref<1250xi32, #tpu.memory_space<vmem>>
    %dma_wait3A_105 = arith.constant 0 : i32
    %dma_wait3A_106 = arith.constant 0 : i32
    %dma_wait3A_107 = tpu.memref_slice %arg3[%dma_wait3A_105, %dma_wait3A_106] : memref<100000x32xf32, #tpu.memory_space<hbm>> -> memref<100000x32xf32, #tpu.memory_space<hbm>>
    tpu.wait_indirect_dma semaphore(%arg10 : memref<!tpu.dma_semaphore, #tpu.memory_space<semaphore_mem>>) src(%dma_wait3A_107 : memref<100000x32xf32, #tpu.memory_space<hbm>>) dst(%dma_wait3A_101 : memref<1250x32xf32, #tpu.memory_space<vmem>>)
    %add3A_108 = arith.constant 96 : i32
    %add3A_109 = arith.addi %add3A, %add3A_108 : i32
    %dma_start3A_110 = arith.constant 0 : i32
    %dma_start3A_111 = arith.constant 0 : i32
    %dma_start3A_112 = tpu.memref_slice %arg5[%dma_start3A_110, %dma_start3A_111] : memref<3x1250xi32, #tpu.memory_space<vmem>> -> memref<1x1250xi32, #tpu.memory_space<vmem>>
    %dma_start3A_113 = tpu.memref_squeeze %dma_start3A_112 : memref<1x1250xi32, #tpu.memory_space<vmem>> -> memref<1250xi32, #tpu.memory_space<vmem>>
    %dma_start3A_114 = arith.constant 0 : i32
    %dma_start3A_115 = tpu.memref_slice %arg2[%add3A_109, %dma_start3A_114] : memref<320x1250xi32, #tpu.memory_space<hbm>> -> memref<1x1250xi32, #tpu.memory_space<hbm>>
    %dma_start3A_116 = tpu.memref_squeeze %dma_start3A_115 : memref<1x1250xi32, #tpu.memory_space<hbm>> -> memref<1250xi32, #tpu.memory_space<hbm>>
    %dma_start3A_117 = arith.constant 0 : i32
    %dma_start3A_118 = tpu.memref_slice %arg5[%dma_start3A_110, %dma_start3A_117] : memref<3x1250xi32, #tpu.memory_space<vmem>> -> memref<1x1250xi32, #tpu.memory_space<vmem>>
    %dma_start3A_119 = tpu.memref_squeeze %dma_start3A_118 : memref<1x1250xi32, #tpu.memory_space<vmem>> -> memref<1250xi32, #tpu.memory_space<vmem>>
    %dma_start3A_120 = arith.constant 0 : i32
    %dma_start3A_121 = tpu.memref_slice %arg2[%add3A_109, %dma_start3A_120] : memref<320x1250xi32, #tpu.memory_space<hbm>> -> memref<1x1250xi32, #tpu.memory_space<hbm>>
    %dma_start3A_122 = tpu.memref_squeeze %dma_start3A_121 : memref<1x1250xi32, #tpu.memory_space<hbm>> -> memref<1250xi32, #tpu.memory_space<hbm>>
    tpu.enqueue_dma source(%dma_start3A_122 : memref<1250xi32, #tpu.memory_space<hbm>>) target(%dma_start3A_119 : memref<1250xi32, #tpu.memory_space<vmem>>) target_semaphore(%arg7 : memref<!tpu.dma_semaphore, #tpu.memory_space<semaphore_mem>>)
    %dma_start3A_123 = arith.constant 0 : i32
    %dma_start3A_124 = arith.constant 0 : i32
    %dma_start3A_125 = arith.constant 0 : i32
    %dma_start3A_126 = arith.constant 0 : i32
    %dma_start3A_127 = tpu.memref_slice %arg6[%dma_start3A_123, %dma_start3A_125, %dma_start3A_126] : memref<3x1250x32xf32, #tpu.memory_space<vmem>> -> memref<1x1250x32xf32, #tpu.memory_space<vmem>>
    %dma_start3A_128 = tpu.memref_squeeze %dma_start3A_127 : memref<1x1250x32xf32, #tpu.memory_space<vmem>> -> memref<1250x32xf32, #tpu.memory_space<vmem>>
    %dma_start3A_129 = arith.constant 0 : i32
    %dma_start3A_130 = tpu.memref_slice %arg5[%dma_start3A_124, %dma_start3A_129] : memref<3x1250xi32, #tpu.memory_space<vmem>> -> memref<1x1250xi32, #tpu.memory_space<vmem>>
    %dma_start3A_131 = tpu.memref_squeeze %dma_start3A_130 : memref<1x1250xi32, #tpu.memory_space<vmem>> -> memref<1250xi32, #tpu.memory_space<vmem>>
    %dma_start3A_132 = arith.constant 0 : i32
    %dma_start3A_133 = arith.constant 0 : i32
    %dma_start3A_134 = tpu.memref_slice %arg4[%dma_start3A_132, %dma_start3A_133] : memref<400000x32xf32, #tpu.memory_space<hbm>> -> memref<400000x32xf32, #tpu.memory_space<hbm>>
    tpu.enqueue_indirect_dma source(%dma_start3A_128 : memref<1250x32xf32, #tpu.memory_space<vmem>>) target(%dma_start3A_134 : memref<400000x32xf32, #tpu.memory_space<hbm>>) offsets(%dma_start3A_131 : memref<1250xi32, #tpu.memory_space<vmem>>) semaphore(%arg13 : memref<!tpu.dma_semaphore, #tpu.memory_space<semaphore_mem>>)
    %dma_wait3A_135 = arith.constant 0 : i32
    %dma_wait3A_136 = arith.constant 2 : i32
    %dma_wait3A_137 = arith.constant 0 : i32
    %dma_wait3A_138 = tpu.memref_slice %arg5[%dma_wait3A_136, %dma_wait3A_137] : memref<3x1250xi32, #tpu.memory_space<vmem>> -> memref<1x1250xi32, #tpu.memory_space<vmem>>
    %dma_wait3A_139 = tpu.memref_squeeze %dma_wait3A_138 : memref<1x1250xi32, #tpu.memory_space<vmem>> -> memref<1250xi32, #tpu.memory_space<vmem>>
    %dma_wait3A_140 = arith.constant 0 : i32
    %dma_wait3A_141 = tpu.memref_slice %arg2[%dma_wait3A_135, %dma_wait3A_140] : memref<320x1250xi32, #tpu.memory_space<hbm>> -> memref<1x1250xi32, #tpu.memory_space<hbm>>
    %dma_wait3A_142 = tpu.memref_squeeze %dma_wait3A_141 : memref<1x1250xi32, #tpu.memory_space<hbm>> -> memref<1250xi32, #tpu.memory_space<hbm>>
    %dma_wait3A_143 = arith.constant 0 : i32
    %dma_wait3A_144 = tpu.memref_slice %arg5[%dma_wait3A_136, %dma_wait3A_143] : memref<3x1250xi32, #tpu.memory_space<vmem>> -> memref<1x1250xi32, #tpu.memory_space<vmem>>
    %dma_wait3A_145 = tpu.memref_squeeze %dma_wait3A_144 : memref<1x1250xi32, #tpu.memory_space<vmem>> -> memref<1250xi32, #tpu.memory_space<vmem>>
    %dma_wait3A_146 = arith.constant 0 : i32
    %dma_wait3A_147 = tpu.memref_slice %arg2[%dma_wait3A_135, %dma_wait3A_146] : memref<320x1250xi32, #tpu.memory_space<hbm>> -> memref<1x1250xi32, #tpu.memory_space<hbm>>
    %dma_wait3A_148 = tpu.memref_squeeze %dma_wait3A_147 : memref<1x1250xi32, #tpu.memory_space<hbm>> -> memref<1250xi32, #tpu.memory_space<hbm>>
    tpu.wait_dma2 semaphore(%arg9 : memref<!tpu.dma_semaphore, #tpu.memory_space<semaphore_mem>>) src(%dma_wait3A_148 : memref<1250xi32, #tpu.memory_space<hbm>>) dst(%dma_wait3A_145 : memref<1250xi32, #tpu.memory_space<vmem>>)
    %dma_start3A_149 = arith.constant 2 : i32
    %dma_start3A_150 = arith.constant 2 : i32
    %dma_start3A_151 = arith.constant 0 : i32
    %dma_start3A_152 = arith.constant 0 : i32
    %dma_start3A_153 = tpu.memref_slice %arg6[%dma_start3A_150, %dma_start3A_151, %dma_start3A_152] : memref<3x1250x32xf32, #tpu.memory_space<vmem>> -> memref<1x1250x32xf32, #tpu.memory_space<vmem>>
    %dma_start3A_154 = tpu.memref_squeeze %dma_start3A_153 : memref<1x1250x32xf32, #tpu.memory_space<vmem>> -> memref<1250x32xf32, #tpu.memory_space<vmem>>
    %dma_start3A_155 = arith.constant 0 : i32
    %dma_start3A_156 = tpu.memref_slice %arg5[%dma_start3A_149, %dma_start3A_155] : memref<3x1250xi32, #tpu.memory_space<vmem>> -> memref<1x1250xi32, #tpu.memory_space<vmem>>
    %dma_start3A_157 = tpu.memref_squeeze %dma_start3A_156 : memref<1x1250xi32, #tpu.memory_space<vmem>> -> memref<1250xi32, #tpu.memory_space<vmem>>
    %dma_start3A_158 = arith.constant 0 : i32
    %dma_start3A_159 = arith.constant 0 : i32
    %dma_start3A_160 = tpu.memref_slice %arg3[%dma_start3A_158, %dma_start3A_159] : memref<100000x32xf32, #tpu.memory_space<hbm>> -> memref<100000x32xf32, #tpu.memory_space<hbm>>
    tpu.enqueue_indirect_dma source(%dma_start3A_160 : memref<100000x32xf32, #tpu.memory_space<hbm>>) target(%dma_start3A_154 : memref<1250x32xf32, #tpu.memory_space<vmem>>) offsets(%dma_start3A_157 : memref<1250xi32, #tpu.memory_space<vmem>>) semaphore(%arg12 : memref<!tpu.dma_semaphore, #tpu.memory_space<semaphore_mem>>)
    %dma_wait3A_161 = arith.constant 1 : i32
    %dma_wait3A_162 = arith.constant 1 : i32
    %dma_wait3A_163 = arith.constant 0 : i32
    %dma_wait3A_164 = arith.constant 0 : i32
    %dma_wait3A_165 = tpu.memref_slice %arg6[%dma_wait3A_162, %dma_wait3A_163, %dma_wait3A_164] : memref<3x1250x32xf32, #tpu.memory_space<vmem>> -> memref<1x1250x32xf32, #tpu.memory_space<vmem>>
    %dma_wait3A_166 = tpu.memref_squeeze %dma_wait3A_165 : memref<1x1250x32xf32, #tpu.memory_space<vmem>> -> memref<1250x32xf32, #tpu.memory_space<vmem>>
    %dma_wait3A_167 = arith.constant 0 : i32
    %dma_wait3A_168 = tpu.memref_slice %arg5[%dma_wait3A_161, %dma_wait3A_167] : memref<3x1250xi32, #tpu.memory_space<vmem>> -> memref<1x1250xi32, #tpu.memory_space<vmem>>
    %dma_wait3A_169 = tpu.memref_squeeze %dma_wait3A_168 : memref<1x1250xi32, #tpu.memory_space<vmem>> -> memref<1250xi32, #tpu.memory_space<vmem>>
    %dma_wait3A_170 = arith.constant 0 : i32
    %dma_wait3A_171 = arith.constant 0 : i32
    %dma_wait3A_172 = tpu.memref_slice %arg3[%dma_wait3A_170, %dma_wait3A_171] : memref<100000x32xf32, #tpu.memory_space<hbm>> -> memref<100000x32xf32, #tpu.memory_space<hbm>>
    tpu.wait_indirect_dma semaphore(%arg11 : memref<!tpu.dma_semaphore, #tpu.memory_space<semaphore_mem>>) src(%dma_wait3A_172 : memref<100000x32xf32, #tpu.memory_space<hbm>>) dst(%dma_wait3A_166 : memref<1250x32xf32, #tpu.memory_space<vmem>>)
    %add3A_173 = arith.constant 128 : i32
    %add3A_174 = arith.addi %add3A, %add3A_173 : i32
    %dma_start3A_175 = arith.constant 1 : i32
    %dma_start3A_176 = arith.constant 0 : i32
    %dma_start3A_177 = tpu.memref_slice %arg5[%dma_start3A_175, %dma_start3A_176] : memref<3x1250xi32, #tpu.memory_space<vmem>> -> memref<1x1250xi32, #tpu.memory_space<vmem>>
    %dma_start3A_178 = tpu.memref_squeeze %dma_start3A_177 : memref<1x1250xi32, #tpu.memory_space<vmem>> -> memref<1250xi32, #tpu.memory_space<vmem>>
    %dma_start3A_179 = arith.constant 0 : i32
    %dma_start3A_180 = tpu.memref_slice %arg2[%add3A_174, %dma_start3A_179] : memref<320x1250xi32, #tpu.memory_space<hbm>> -> memref<1x1250xi32, #tpu.memory_space<hbm>>
    %dma_start3A_181 = tpu.memref_squeeze %dma_start3A_180 : memref<1x1250xi32, #tpu.memory_space<hbm>> -> memref<1250xi32, #tpu.memory_space<hbm>>
    %dma_start3A_182 = arith.constant 0 : i32
    %dma_start3A_183 = tpu.memref_slice %arg5[%dma_start3A_175, %dma_start3A_182] : memref<3x1250xi32, #tpu.memory_space<vmem>> -> memref<1x1250xi32, #tpu.memory_space<vmem>>
    %dma_start3A_184 = tpu.memref_squeeze %dma_start3A_183 : memref<1x1250xi32, #tpu.memory_space<vmem>> -> memref<1250xi32, #tpu.memory_space<vmem>>
    %dma_start3A_185 = arith.constant 0 : i32
    %dma_start3A_186 = tpu.memref_slice %arg2[%add3A_174, %dma_start3A_185] : memref<320x1250xi32, #tpu.memory_space<hbm>> -> memref<1x1250xi32, #tpu.memory_space<hbm>>
    %dma_start3A_187 = tpu.memref_squeeze %dma_start3A_186 : memref<1x1250xi32, #tpu.memory_space<hbm>> -> memref<1250xi32, #tpu.memory_space<hbm>>
    tpu.enqueue_dma source(%dma_start3A_187 : memref<1250xi32, #tpu.memory_space<hbm>>) target(%dma_start3A_184 : memref<1250xi32, #tpu.memory_space<vmem>>) target_semaphore(%arg8 : memref<!tpu.dma_semaphore, #tpu.memory_space<semaphore_mem>>)
    %dma_start3A_188 = arith.constant 1 : i32
    %dma_start3A_189 = arith.constant 1 : i32
    %dma_start3A_190 = arith.constant 0 : i32
    %dma_start3A_191 = arith.constant 0 : i32
    %dma_start3A_192 = tpu.memref_slice %arg6[%dma_start3A_188, %dma_start3A_190, %dma_start3A_191] : memref<3x1250x32xf32, #tpu.memory_space<vmem>> -> memref<1x1250x32xf32, #tpu.memory_space<vmem>>
    %dma_start3A_193 = tpu.memref_squeeze %dma_start3A_192 : memref<1x1250x32xf32, #tpu.memory_space<vmem>> -> memref<1250x32xf32, #tpu.memory_space<vmem>>
    %dma_start3A_194 = arith.constant 0 : i32
    %dma_start3A_195 = tpu.memref_slice %arg5[%dma_start3A_189, %dma_start3A_194] : memref<3x1250xi32, #tpu.memory_space<vmem>> -> memref<1x1250xi32, #tpu.memory_space<vmem>>
    %dma_start3A_196 = tpu.memref_squeeze %dma_start3A_195 : memref<1x1250xi32, #tpu.memory_space<vmem>> -> memref<1250xi32, #tpu.memory_space<vmem>>
    %dma_start3A_197 = arith.constant 0 : i32
    %dma_start3A_198 = arith.constant 0 : i32
    %dma_start3A_199 = tpu.memref_slice %arg4[%dma_start3A_197, %dma_start3A_198] : memref<400000x32xf32, #tpu.memory_space<hbm>> -> memref<400000x32xf32, #tpu.memory_space<hbm>>
    tpu.enqueue_indirect_dma source(%dma_start3A_193 : memref<1250x32xf32, #tpu.memory_space<vmem>>) target(%dma_start3A_199 : memref<400000x32xf32, #tpu.memory_space<hbm>>) offsets(%dma_start3A_196 : memref<1250xi32, #tpu.memory_space<vmem>>) semaphore(%arg14 : memref<!tpu.dma_semaphore, #tpu.memory_space<semaphore_mem>>)
    %dma_wait3A_200 = arith.constant 0 : i32
    %dma_wait3A_201 = arith.constant 0 : i32
    %dma_wait3A_202 = arith.constant 0 : i32
    %dma_wait3A_203 = tpu.memref_slice %arg5[%dma_wait3A_201, %dma_wait3A_202] : memref<3x1250xi32, #tpu.memory_space<vmem>> -> memref<1x1250xi32, #tpu.memory_space<vmem>>
    %dma_wait3A_204 = tpu.memref_squeeze %dma_wait3A_203 : memref<1x1250xi32, #tpu.memory_space<vmem>> -> memref<1250xi32, #tpu.memory_space<vmem>>
    %dma_wait3A_205 = arith.constant 0 : i32
    %dma_wait3A_206 = tpu.memref_slice %arg2[%dma_wait3A_200, %dma_wait3A_205] : memref<320x1250xi32, #tpu.memory_space<hbm>> -> memref<1x1250xi32, #tpu.memory_space<hbm>>
    %dma_wait3A_207 = tpu.memref_squeeze %dma_wait3A_206 : memref<1x1250xi32, #tpu.memory_space<hbm>> -> memref<1250xi32, #tpu.memory_space<hbm>>
    %dma_wait3A_208 = arith.constant 0 : i32
    %dma_wait3A_209 = tpu.memref_slice %arg5[%dma_wait3A_201, %dma_wait3A_208] : memref<3x1250xi32, #tpu.memory_space<vmem>> -> memref<1x1250xi32, #tpu.memory_space<vmem>>
    %dma_wait3A_210 = tpu.memref_squeeze %dma_wait3A_209 : memref<1x1250xi32, #tpu.memory_space<vmem>> -> memref<1250xi32, #tpu.memory_space<vmem>>
    %dma_wait3A_211 = arith.constant 0 : i32
    %dma_wait3A_212 = tpu.memref_slice %arg2[%dma_wait3A_200, %dma_wait3A_211] : memref<320x1250xi32, #tpu.memory_space<hbm>> -> memref<1x1250xi32, #tpu.memory_space<hbm>>
    %dma_wait3A_213 = tpu.memref_squeeze %dma_wait3A_212 : memref<1x1250xi32, #tpu.memory_space<hbm>> -> memref<1250xi32, #tpu.memory_space<hbm>>
    tpu.wait_dma2 semaphore(%arg7 : memref<!tpu.dma_semaphore, #tpu.memory_space<semaphore_mem>>) src(%dma_wait3A_213 : memref<1250xi32, #tpu.memory_space<hbm>>) dst(%dma_wait3A_210 : memref<1250xi32, #tpu.memory_space<vmem>>)
    %dma_wait3A_214 = arith.constant 0 : i32
    %dma_wait3A_215 = arith.constant 0 : i32
    %dma_wait3A_216 = arith.constant 0 : i32
    %dma_wait3A_217 = arith.constant 0 : i32
    %dma_wait3A_218 = tpu.memref_slice %arg6[%dma_wait3A_214, %dma_wait3A_216, %dma_wait3A_217] : memref<3x1250x32xf32, #tpu.memory_space<vmem>> -> memref<1x1250x32xf32, #tpu.memory_space<vmem>>
    %dma_wait3A_219 = tpu.memref_squeeze %dma_wait3A_218 : memref<1x1250x32xf32, #tpu.memory_space<vmem>> -> memref<1250x32xf32, #tpu.memory_space<vmem>>
    %dma_wait3A_220 = arith.constant 0 : i32
    %dma_wait3A_221 = tpu.memref_slice %arg5[%dma_wait3A_215, %dma_wait3A_220] : memref<3x1250xi32, #tpu.memory_space<vmem>> -> memref<1x1250xi32, #tpu.memory_space<vmem>>
    %dma_wait3A_222 = tpu.memref_squeeze %dma_wait3A_221 : memref<1x1250xi32, #tpu.memory_space<vmem>> -> memref<1250xi32, #tpu.memory_space<vmem>>
    %dma_wait3A_223 = arith.constant 0 : i32
    %dma_wait3A_224 = arith.constant 0 : i32
    %dma_wait3A_225 = tpu.memref_slice %arg4[%dma_wait3A_223, %dma_wait3A_224] : memref<400000x32xf32, #tpu.memory_space<hbm>> -> memref<400000x32xf32, #tpu.memory_space<hbm>>
    tpu.wait_indirect_dma semaphore(%arg13 : memref<!tpu.dma_semaphore, #tpu.memory_space<semaphore_mem>>) src(%dma_wait3A_219 : memref<1250x32xf32, #tpu.memory_space<vmem>>) dst(%dma_wait3A_225 : memref<400000x32xf32, #tpu.memory_space<hbm>>)
    %dma_start3A_226 = arith.constant 0 : i32
    %dma_start3A_227 = arith.constant 0 : i32
    %dma_start3A_228 = arith.constant 0 : i32
    %dma_start3A_229 = arith.constant 0 : i32
    %dma_start3A_230 = tpu.memref_slice %arg6[%dma_start3A_227, %dma_start3A_228, %dma_start3A_229] : memref<3x1250x32xf32, #tpu.memory_space<vmem>> -> memref<1x1250x32xf32, #tpu.memory_space<vmem>>
    %dma_start3A_231 = tpu.memref_squeeze %dma_start3A_230 : memref<1x1250x32xf32, #tpu.memory_space<vmem>> -> memref<1250x32xf32, #tpu.memory_space<vmem>>
    %dma_start3A_232 = arith.constant 0 : i32
    %dma_start3A_233 = tpu.memref_slice %arg5[%dma_start3A_226, %dma_start3A_232] : memref<3x1250xi32, #tpu.memory_space<vmem>> -> memref<1x1250xi32, #tpu.memory_space<vmem>>
    %dma_start3A_234 = tpu.memref_squeeze %dma_start3A_233 : memref<1x1250xi32, #tpu.memory_space<vmem>> -> memref<1250xi32, #tpu.memory_space<vmem>>
    %dma_start3A_235 = arith.constant 0 : i32
    %dma_start3A_236 = arith.constant 0 : i32
    %dma_start3A_237 = tpu.memref_slice %arg3[%dma_start3A_235, %dma_start3A_236] : memref<100000x32xf32, #tpu.memory_space<hbm>> -> memref<100000x32xf32, #tpu.memory_space<hbm>>
    tpu.enqueue_indirect_dma source(%dma_start3A_237 : memref<100000x32xf32, #tpu.memory_space<hbm>>) target(%dma_start3A_231 : memref<1250x32xf32, #tpu.memory_space<vmem>>) offsets(%dma_start3A_234 : memref<1250xi32, #tpu.memory_space<vmem>>) semaphore(%arg10 : memref<!tpu.dma_semaphore, #tpu.memory_space<semaphore_mem>>)
    %dma_wait3A_238 = arith.constant 2 : i32
    %dma_wait3A_239 = arith.constant 2 : i32
    %dma_wait3A_240 = arith.constant 0 : i32
    %dma_wait3A_241 = arith.constant 0 : i32
    %dma_wait3A_242 = tpu.memref_slice %arg6[%dma_wait3A_239, %dma_wait3A_240, %dma_wait3A_241] : memref<3x1250x32xf32, #tpu.memory_space<vmem>> -> memref<1x1250x32xf32, #tpu.memory_space<vmem>>
    %dma_wait3A_243 = tpu.memref_squeeze %dma_wait3A_242 : memref<1x1250x32xf32, #tpu.memory_space<vmem>> -> memref<1250x32xf32, #tpu.memory_space<vmem>>
    %dma_wait3A_244 = arith.constant 0 : i32
    %dma_wait3A_245 = tpu.memref_slice %arg5[%dma_wait3A_238, %dma_wait3A_244] : memref<3x1250xi32, #tpu.memory_space<vmem>> -> memref<1x1250xi32, #tpu.memory_space<vmem>>
    %dma_wait3A_246 = tpu.memref_squeeze %dma_wait3A_245 : memref<1x1250xi32, #tpu.memory_space<vmem>> -> memref<1250xi32, #tpu.memory_space<vmem>>
    %dma_wait3A_247 = arith.constant 0 : i32
    %dma_wait3A_248 = arith.constant 0 : i32
    %dma_wait3A_249 = tpu.memref_slice %arg3[%dma_wait3A_247, %dma_wait3A_248] : memref<100000x32xf32, #tpu.memory_space<hbm>> -> memref<100000x32xf32, #tpu.memory_space<hbm>>
    tpu.wait_indirect_dma semaphore(%arg12 : memref<!tpu.dma_semaphore, #tpu.memory_space<semaphore_mem>>) src(%dma_wait3A_249 : memref<100000x32xf32, #tpu.memory_space<hbm>>) dst(%dma_wait3A_243 : memref<1250x32xf32, #tpu.memory_space<vmem>>)
    %add3A_250 = arith.constant 160 : i32
    %add3A_251 = arith.addi %add3A, %add3A_250 : i32
    %dma_start3A_252 = arith.constant 2 : i32
    %dma_start3A_253 = arith.constant 0 : i32
    %dma_start3A_254 = tpu.memref_slice %arg5[%dma_start3A_252, %dma_start3A_253] : memref<3x1250xi32, #tpu.memory_space<vmem>> -> memref<1x1250xi32, #tpu.memory_space<vmem>>
    %dma_start3A_255 = tpu.memref_squeeze %dma_start3A_254 : memref<1x1250xi32, #tpu.memory_space<vmem>> -> memref<1250xi32, #tpu.memory_space<vmem>>
    %dma_start3A_256 = arith.constant 0 : i32
    %dma_start3A_257 = tpu.memref_slice %arg2[%add3A_251, %dma_start3A_256] : memref<320x1250xi32, #tpu.memory_space<hbm>> -> memref<1x1250xi32, #tpu.memory_space<hbm>>
    %dma_start3A_258 = tpu.memref_squeeze %dma_start3A_257 : memref<1x1250xi32, #tpu.memory_space<hbm>> -> memref<1250xi32, #tpu.memory_space<hbm>>
    %dma_start3A_259 = arith.constant 0 : i32
    %dma_start3A_260 = tpu.memref_slice %arg5[%dma_start3A_252, %dma_start3A_259] : memref<3x1250xi32, #tpu.memory_space<vmem>> -> memref<1x1250xi32, #tpu.memory_space<vmem>>
    %dma_start3A_261 = tpu.memref_squeeze %dma_start3A_260 : memref<1x1250xi32, #tpu.memory_space<vmem>> -> memref<1250xi32, #tpu.memory_space<vmem>>
    %dma_start3A_262 = arith.constant 0 : i32
    %dma_start3A_263 = tpu.memref_slice %arg2[%add3A_251, %dma_start3A_262] : memref<320x1250xi32, #tpu.memory_space<hbm>> -> memref<1x1250xi32, #tpu.memory_space<hbm>>
    %dma_start3A_264 = tpu.memref_squeeze %dma_start3A_263 : memref<1x1250xi32, #tpu.memory_space<hbm>> -> memref<1250xi32, #tpu.memory_space<hbm>>
    tpu.enqueue_dma source(%dma_start3A_264 : memref<1250xi32, #tpu.memory_space<hbm>>) target(%dma_start3A_261 : memref<1250xi32, #tpu.memory_space<vmem>>) target_semaphore(%arg9 : memref<!tpu.dma_semaphore, #tpu.memory_space<semaphore_mem>>)
    %dma_start3A_265 = arith.constant 2 : i32
    %dma_start3A_266 = arith.constant 2 : i32
    %dma_start3A_267 = arith.constant 0 : i32
    %dma_start3A_268 = arith.constant 0 : i32
    %dma_start3A_269 = tpu.memref_slice %arg6[%dma_start3A_265, %dma_start3A_267, %dma_start3A_268] : memref<3x1250x32xf32, #tpu.memory_space<vmem>> -> memref<1x1250x32xf32, #tpu.memory_space<vmem>>
    %dma_start3A_270 = tpu.memref_squeeze %dma_start3A_269 : memref<1x1250x32xf32, #tpu.memory_space<vmem>> -> memref<1250x32xf32, #tpu.memory_space<vmem>>
    %dma_start3A_271 = arith.constant 0 : i32
    %dma_start3A_272 = tpu.memref_slice %arg5[%dma_start3A_266, %dma_start3A_271] : memref<3x1250xi32, #tpu.memory_space<vmem>> -> memref<1x1250xi32, #tpu.memory_space<vmem>>
    %dma_start3A_273 = tpu.memref_squeeze %dma_start3A_272 : memref<1x1250xi32, #tpu.memory_space<vmem>> -> memref<1250xi32, #tpu.memory_space<vmem>>
    %dma_start3A_274 = arith.constant 0 : i32
    %dma_start3A_275 = arith.constant 0 : i32
    %dma_start3A_276 = tpu.memref_slice %arg4[%dma_start3A_274, %dma_start3A_275] : memref<400000x32xf32, #tpu.memory_space<hbm>> -> memref<400000x32xf32, #tpu.memory_space<hbm>>
    tpu.enqueue_indirect_dma source(%dma_start3A_270 : memref<1250x32xf32, #tpu.memory_space<vmem>>) target(%dma_start3A_276 : memref<400000x32xf32, #tpu.memory_space<hbm>>) offsets(%dma_start3A_273 : memref<1250xi32, #tpu.memory_space<vmem>>) semaphore(%arg15 : memref<!tpu.dma_semaphore, #tpu.memory_space<semaphore_mem>>)
    %dma_wait3A_277 = arith.constant 0 : i32
    %dma_wait3A_278 = arith.constant 1 : i32
    %dma_wait3A_279 = arith.constant 0 : i32
    %dma_wait3A_280 = tpu.memref_slice %arg5[%dma_wait3A_278, %dma_wait3A_279] : memref<3x1250xi32, #tpu.memory_space<vmem>> -> memref<1x1250xi32, #tpu.memory_space<vmem>>
    %dma_wait3A_281 = tpu.memref_squeeze %dma_wait3A_280 : memref<1x1250xi32, #tpu.memory_space<vmem>> -> memref<1250xi32, #tpu.memory_space<vmem>>
    %dma_wait3A_282 = arith.constant 0 : i32
    %dma_wait3A_283 = tpu.memref_slice %arg2[%dma_wait3A_277, %dma_wait3A_282] : memref<320x1250xi32, #tpu.memory_space<hbm>> -> memref<1x1250xi32, #tpu.memory_space<hbm>>
    %dma_wait3A_284 = tpu.memref_squeeze %dma_wait3A_283 : memref<1x1250xi32, #tpu.memory_space<hbm>> -> memref<1250xi32, #tpu.memory_space<hbm>>
    %dma_wait3A_285 = arith.constant 0 : i32
    %dma_wait3A_286 = tpu.memref_slice %arg5[%dma_wait3A_278, %dma_wait3A_285] : memref<3x1250xi32, #tpu.memory_space<vmem>> -> memref<1x1250xi32, #tpu.memory_space<vmem>>
    %dma_wait3A_287 = tpu.memref_squeeze %dma_wait3A_286 : memref<1x1250xi32, #tpu.memory_space<vmem>> -> memref<1250xi32, #tpu.memory_space<vmem>>
    %dma_wait3A_288 = arith.constant 0 : i32
    %dma_wait3A_289 = tpu.memref_slice %arg2[%dma_wait3A_277, %dma_wait3A_288] : memref<320x1250xi32, #tpu.memory_space<hbm>> -> memref<1x1250xi32, #tpu.memory_space<hbm>>
    %dma_wait3A_290 = tpu.memref_squeeze %dma_wait3A_289 : memref<1x1250xi32, #tpu.memory_space<hbm>> -> memref<1250xi32, #tpu.memory_space<hbm>>
    tpu.wait_dma2 semaphore(%arg8 : memref<!tpu.dma_semaphore, #tpu.memory_space<semaphore_mem>>) src(%dma_wait3A_290 : memref<1250xi32, #tpu.memory_space<hbm>>) dst(%dma_wait3A_287 : memref<1250xi32, #tpu.memory_space<vmem>>)
    %dma_wait3A_291 = arith.constant 1 : i32
    %dma_wait3A_292 = arith.constant 1 : i32
    %dma_wait3A_293 = arith.constant 0 : i32
    %dma_wait3A_294 = arith.constant 0 : i32
    %dma_wait3A_295 = tpu.memref_slice %arg6[%dma_wait3A_291, %dma_wait3A_293, %dma_wait3A_294] : memref<3x1250x32xf32, #tpu.memory_space<vmem>> -> memref<1x1250x32xf32, #tpu.memory_space<vmem>>
    %dma_wait3A_296 = tpu.memref_squeeze %dma_wait3A_295 : memref<1x1250x32xf32, #tpu.memory_space<vmem>> -> memref<1250x32xf32, #tpu.memory_space<vmem>>
    %dma_wait3A_297 = arith.constant 0 : i32
    %dma_wait3A_298 = tpu.memref_slice %arg5[%dma_wait3A_292, %dma_wait3A_297] : memref<3x1250xi32, #tpu.memory_space<vmem>> -> memref<1x1250xi32, #tpu.memory_space<vmem>>
    %dma_wait3A_299 = tpu.memref_squeeze %dma_wait3A_298 : memref<1x1250xi32, #tpu.memory_space<vmem>> -> memref<1250xi32, #tpu.memory_space<vmem>>
    %dma_wait3A_300 = arith.constant 0 : i32
    %dma_wait3A_301 = arith.constant 0 : i32
    %dma_wait3A_302 = tpu.memref_slice %arg4[%dma_wait3A_300, %dma_wait3A_301] : memref<400000x32xf32, #tpu.memory_space<hbm>> -> memref<400000x32xf32, #tpu.memory_space<hbm>>
    tpu.wait_indirect_dma semaphore(%arg14 : memref<!tpu.dma_semaphore, #tpu.memory_space<semaphore_mem>>) src(%dma_wait3A_296 : memref<1250x32xf32, #tpu.memory_space<vmem>>) dst(%dma_wait3A_302 : memref<400000x32xf32, #tpu.memory_space<hbm>>)
    %dma_start3A_303 = arith.constant 1 : i32
    %dma_start3A_304 = arith.constant 1 : i32
    %dma_start3A_305 = arith.constant 0 : i32
    %dma_start3A_306 = arith.constant 0 : i32
    %dma_start3A_307 = tpu.memref_slice %arg6[%dma_start3A_304, %dma_start3A_305, %dma_start3A_306] : memref<3x1250x32xf32, #tpu.memory_space<vmem>> -> memref<1x1250x32xf32, #tpu.memory_space<vmem>>
    %dma_start3A_308 = tpu.memref_squeeze %dma_start3A_307 : memref<1x1250x32xf32, #tpu.memory_space<vmem>> -> memref<1250x32xf32, #tpu.memory_space<vmem>>
    %dma_start3A_309 = arith.constant 0 : i32
    %dma_start3A_310 = tpu.memref_slice %arg5[%dma_start3A_303, %dma_start3A_309] : memref<3x1250xi32, #tpu.memory_space<vmem>> -> memref<1x1250xi32, #tpu.memory_space<vmem>>
    %dma_start3A_311 = tpu.memref_squeeze %dma_start3A_310 : memref<1x1250xi32, #tpu.memory_space<vmem>> -> memref<1250xi32, #tpu.memory_space<vmem>>
    %dma_start3A_312 = arith.constant 0 : i32
    %dma_start3A_313 = arith.constant 0 : i32
    %dma_start3A_314 = tpu.memref_slice %arg3[%dma_start3A_312, %dma_start3A_313] : memref<100000x32xf32, #tpu.memory_space<hbm>> -> memref<100000x32xf32, #tpu.memory_space<hbm>>
    tpu.enqueue_indirect_dma source(%dma_start3A_314 : memref<100000x32xf32, #tpu.memory_space<hbm>>) target(%dma_start3A_308 : memref<1250x32xf32, #tpu.memory_space<vmem>>) offsets(%dma_start3A_311 : memref<1250xi32, #tpu.memory_space<vmem>>) semaphore(%arg11 : memref<!tpu.dma_semaphore, #tpu.memory_space<semaphore_mem>>)
    %dma_wait3A_315 = arith.constant 0 : i32
    %dma_wait3A_316 = arith.constant 0 : i32
    %dma_wait3A_317 = arith.constant 0 : i32
    %dma_wait3A_318 = arith.constant 0 : i32
    %dma_wait3A_319 = tpu.memref_slice %arg6[%dma_wait3A_316, %dma_wait3A_317, %dma_wait3A_318] : memref<3x1250x32xf32, #tpu.memory_space<vmem>> -> memref<1x1250x32xf32, #tpu.memory_space<vmem>>
    %dma_wait3A_320 = tpu.memref_squeeze %dma_wait3A_319 : memref<1x1250x32xf32, #tpu.memory_space<vmem>> -> memref<1250x32xf32, #tpu.memory_space<vmem>>
    %dma_wait3A_321 = arith.constant 0 : i32
    %dma_wait3A_322 = tpu.memref_slice %arg5[%dma_wait3A_315, %dma_wait3A_321] : memref<3x1250xi32, #tpu.memory_space<vmem>> -> memref<1x1250xi32, #tpu.memory_space<vmem>>
    %dma_wait3A_323 = tpu.memref_squeeze %dma_wait3A_322 : memref<1x1250xi32, #tpu.memory_space<vmem>> -> memref<1250xi32, #tpu.memory_space<vmem>>
    %dma_wait3A_324 = arith.constant 0 : i32
    %dma_wait3A_325 = arith.constant 0 : i32
    %dma_wait3A_326 = tpu.memref_slice %arg3[%dma_wait3A_324, %dma_wait3A_325] : memref<100000x32xf32, #tpu.memory_space<hbm>> -> memref<100000x32xf32, #tpu.memory_space<hbm>>
    tpu.wait_indirect_dma semaphore(%arg10 : memref<!tpu.dma_semaphore, #tpu.memory_space<semaphore_mem>>) src(%dma_wait3A_326 : memref<100000x32xf32, #tpu.memory_space<hbm>>) dst(%dma_wait3A_320 : memref<1250x32xf32, #tpu.memory_space<vmem>>)
    %add3A_327 = arith.constant 192 : i32
    %add3A_328 = arith.addi %add3A, %add3A_327 : i32
    %dma_start3A_329 = arith.constant 0 : i32
    %dma_start3A_330 = arith.constant 0 : i32
    %dma_start3A_331 = tpu.memref_slice %arg5[%dma_start3A_329, %dma_start3A_330] : memref<3x1250xi32, #tpu.memory_space<vmem>> -> memref<1x1250xi32, #tpu.memory_space<vmem>>
    %dma_start3A_332 = tpu.memref_squeeze %dma_start3A_331 : memref<1x1250xi32, #tpu.memory_space<vmem>> -> memref<1250xi32, #tpu.memory_space<vmem>>
    %dma_start3A_333 = arith.constant 0 : i32
    %dma_start3A_334 = tpu.memref_slice %arg2[%add3A_328, %dma_start3A_333] : memref<320x1250xi32, #tpu.memory_space<hbm>> -> memref<1x1250xi32, #tpu.memory_space<hbm>>
    %dma_start3A_335 = tpu.memref_squeeze %dma_start3A_334 : memref<1x1250xi32, #tpu.memory_space<hbm>> -> memref<1250xi32, #tpu.memory_space<hbm>>
    %dma_start3A_336 = arith.constant 0 : i32
    %dma_start3A_337 = tpu.memref_slice %arg5[%dma_start3A_329, %dma_start3A_336] : memref<3x1250xi32, #tpu.memory_space<vmem>> -> memref<1x1250xi32, #tpu.memory_space<vmem>>
    %dma_start3A_338 = tpu.memref_squeeze %dma_start3A_337 : memref<1x1250xi32, #tpu.memory_space<vmem>> -> memref<1250xi32, #tpu.memory_space<vmem>>
    %dma_start3A_339 = arith.constant 0 : i32
    %dma_start3A_340 = tpu.memref_slice %arg2[%add3A_328, %dma_start3A_339] : memref<320x1250xi32, #tpu.memory_space<hbm>> -> memref<1x1250xi32, #tpu.memory_space<hbm>>
    %dma_start3A_341 = tpu.memref_squeeze %dma_start3A_340 : memref<1x1250xi32, #tpu.memory_space<hbm>> -> memref<1250xi32, #tpu.memory_space<hbm>>
    tpu.enqueue_dma source(%dma_start3A_341 : memref<1250xi32, #tpu.memory_space<hbm>>) target(%dma_start3A_338 : memref<1250xi32, #tpu.memory_space<vmem>>) target_semaphore(%arg7 : memref<!tpu.dma_semaphore, #tpu.memory_space<semaphore_mem>>)
    %dma_start3A_342 = arith.constant 0 : i32
    %dma_start3A_343 = arith.constant 0 : i32
    %dma_start3A_344 = arith.constant 0 : i32
    %dma_start3A_345 = arith.constant 0 : i32
    %dma_start3A_346 = tpu.memref_slice %arg6[%dma_start3A_342, %dma_start3A_344, %dma_start3A_345] : memref<3x1250x32xf32, #tpu.memory_space<vmem>> -> memref<1x1250x32xf32, #tpu.memory_space<vmem>>
    %dma_start3A_347 = tpu.memref_squeeze %dma_start3A_346 : memref<1x1250x32xf32, #tpu.memory_space<vmem>> -> memref<1250x32xf32, #tpu.memory_space<vmem>>
    %dma_start3A_348 = arith.constant 0 : i32
    %dma_start3A_349 = tpu.memref_slice %arg5[%dma_start3A_343, %dma_start3A_348] : memref<3x1250xi32, #tpu.memory_space<vmem>> -> memref<1x1250xi32, #tpu.memory_space<vmem>>
    %dma_start3A_350 = tpu.memref_squeeze %dma_start3A_349 : memref<1x1250xi32, #tpu.memory_space<vmem>> -> memref<1250xi32, #tpu.memory_space<vmem>>
    %dma_start3A_351 = arith.constant 0 : i32
    %dma_start3A_352 = arith.constant 0 : i32
    %dma_start3A_353 = tpu.memref_slice %arg4[%dma_start3A_351, %dma_start3A_352] : memref<400000x32xf32, #tpu.memory_space<hbm>> -> memref<400000x32xf32, #tpu.memory_space<hbm>>
    tpu.enqueue_indirect_dma source(%dma_start3A_347 : memref<1250x32xf32, #tpu.memory_space<vmem>>) target(%dma_start3A_353 : memref<400000x32xf32, #tpu.memory_space<hbm>>) offsets(%dma_start3A_350 : memref<1250xi32, #tpu.memory_space<vmem>>) semaphore(%arg13 : memref<!tpu.dma_semaphore, #tpu.memory_space<semaphore_mem>>)
    %dma_wait3A_354 = arith.constant 0 : i32
    %dma_wait3A_355 = arith.constant 2 : i32
    %dma_wait3A_356 = arith.constant 0 : i32
    %dma_wait3A_357 = tpu.memref_slice %arg5[%dma_wait3A_355, %dma_wait3A_356] : memref<3x1250xi32, #tpu.memory_space<vmem>> -> memref<1x1250xi32, #tpu.memory_space<vmem>>
    %dma_wait3A_358 = tpu.memref_squeeze %dma_wait3A_357 : memref<1x1250xi32, #tpu.memory_space<vmem>> -> memref<1250xi32, #tpu.memory_space<vmem>>
    %dma_wait3A_359 = arith.constant 0 : i32
    %dma_wait3A_360 = tpu.memref_slice %arg2[%dma_wait3A_354, %dma_wait3A_359] : memref<320x1250xi32, #tpu.memory_space<hbm>> -> memref<1x1250xi32, #tpu.memory_space<hbm>>
    %dma_wait3A_361 = tpu.memref_squeeze %dma_wait3A_360 : memref<1x1250xi32, #tpu.memory_space<hbm>> -> memref<1250xi32, #tpu.memory_space<hbm>>
    %dma_wait3A_362 = arith.constant 0 : i32
    %dma_wait3A_363 = tpu.memref_slice %arg5[%dma_wait3A_355, %dma_wait3A_362] : memref<3x1250xi32, #tpu.memory_space<vmem>> -> memref<1x1250xi32, #tpu.memory_space<vmem>>
    %dma_wait3A_364 = tpu.memref_squeeze %dma_wait3A_363 : memref<1x1250xi32, #tpu.memory_space<vmem>> -> memref<1250xi32, #tpu.memory_space<vmem>>
    %dma_wait3A_365 = arith.constant 0 : i32
    %dma_wait3A_366 = tpu.memref_slice %arg2[%dma_wait3A_354, %dma_wait3A_365] : memref<320x1250xi32, #tpu.memory_space<hbm>> -> memref<1x1250xi32, #tpu.memory_space<hbm>>
    %dma_wait3A_367 = tpu.memref_squeeze %dma_wait3A_366 : memref<1x1250xi32, #tpu.memory_space<hbm>> -> memref<1250xi32, #tpu.memory_space<hbm>>
    tpu.wait_dma2 semaphore(%arg9 : memref<!tpu.dma_semaphore, #tpu.memory_space<semaphore_mem>>) src(%dma_wait3A_367 : memref<1250xi32, #tpu.memory_space<hbm>>) dst(%dma_wait3A_364 : memref<1250xi32, #tpu.memory_space<vmem>>)
    %dma_wait3A_368 = arith.constant 2 : i32
    %dma_wait3A_369 = arith.constant 2 : i32
    %dma_wait3A_370 = arith.constant 0 : i32
    %dma_wait3A_371 = arith.constant 0 : i32
    %dma_wait3A_372 = tpu.memref_slice %arg6[%dma_wait3A_368, %dma_wait3A_370, %dma_wait3A_371] : memref<3x1250x32xf32, #tpu.memory_space<vmem>> -> memref<1x1250x32xf32, #tpu.memory_space<vmem>>
    %dma_wait3A_373 = tpu.memref_squeeze %dma_wait3A_372 : memref<1x1250x32xf32, #tpu.memory_space<vmem>> -> memref<1250x32xf32, #tpu.memory_space<vmem>>
    %dma_wait3A_374 = arith.constant 0 : i32
    %dma_wait3A_375 = tpu.memref_slice %arg5[%dma_wait3A_369, %dma_wait3A_374] : memref<3x1250xi32, #tpu.memory_space<vmem>> -> memref<1x1250xi32, #tpu.memory_space<vmem>>
    %dma_wait3A_376 = tpu.memref_squeeze %dma_wait3A_375 : memref<1x1250xi32, #tpu.memory_space<vmem>> -> memref<1250xi32, #tpu.memory_space<vmem>>
    %dma_wait3A_377 = arith.constant 0 : i32
    %dma_wait3A_378 = arith.constant 0 : i32
    %dma_wait3A_379 = tpu.memref_slice %arg4[%dma_wait3A_377, %dma_wait3A_378] : memref<400000x32xf32, #tpu.memory_space<hbm>> -> memref<400000x32xf32, #tpu.memory_space<hbm>>
    tpu.wait_indirect_dma semaphore(%arg15 : memref<!tpu.dma_semaphore, #tpu.memory_space<semaphore_mem>>) src(%dma_wait3A_373 : memref<1250x32xf32, #tpu.memory_space<vmem>>) dst(%dma_wait3A_379 : memref<400000x32xf32, #tpu.memory_space<hbm>>)
    %dma_start3A_380 = arith.constant 2 : i32
    %dma_start3A_381 = arith.constant 2 : i32
    %dma_start3A_382 = arith.constant 0 : i32
    %dma_start3A_383 = arith.constant 0 : i32
    %dma_start3A_384 = tpu.memref_slice %arg6[%dma_start3A_381, %dma_start3A_382, %dma_start3A_383] : memref<3x1250x32xf32, #tpu.memory_space<vmem>> -> memref<1x1250x32xf32, #tpu.memory_space<vmem>>
    %dma_start3A_385 = tpu.memref_squeeze %dma_start3A_384 : memref<1x1250x32xf32, #tpu.memory_space<vmem>> -> memref<1250x32xf32, #tpu.memory_space<vmem>>
    %dma_start3A_386 = arith.constant 0 : i32
    %dma_start3A_387 = tpu.memref_slice %arg5[%dma_start3A_380, %dma_start3A_386] : memref<3x1250xi32, #tpu.memory_space<vmem>> -> memref<1x1250xi32, #tpu.memory_space<vmem>>
    %dma_start3A_388 = tpu.memref_squeeze %dma_start3A_387 : memref<1x1250xi32, #tpu.memory_space<vmem>> -> memref<1250xi32, #tpu.memory_space<vmem>>
    %dma_start3A_389 = arith.constant 0 : i32
    %dma_start3A_390 = arith.constant 0 : i32
    %dma_start3A_391 = tpu.memref_slice %arg3[%dma_start3A_389, %dma_start3A_390] : memref<100000x32xf32, #tpu.memory_space<hbm>> -> memref<100000x32xf32, #tpu.memory_space<hbm>>
    tpu.enqueue_indirect_dma source(%dma_start3A_391 : memref<100000x32xf32, #tpu.memory_space<hbm>>) target(%dma_start3A_385 : memref<1250x32xf32, #tpu.memory_space<vmem>>) offsets(%dma_start3A_388 : memref<1250xi32, #tpu.memory_space<vmem>>) semaphore(%arg12 : memref<!tpu.dma_semaphore, #tpu.memory_space<semaphore_mem>>)
    %dma_wait3A_392 = arith.constant 1 : i32
    %dma_wait3A_393 = arith.constant 1 : i32
    %dma_wait3A_394 = arith.constant 0 : i32
    %dma_wait3A_395 = arith.constant 0 : i32
    %dma_wait3A_396 = tpu.memref_slice %arg6[%dma_wait3A_393, %dma_wait3A_394, %dma_wait3A_395] : memref<3x1250x32xf32, #tpu.memory_space<vmem>> -> memref<1x1250x32xf32, #tpu.memory_space<vmem>>
    %dma_wait3A_397 = tpu.memref_squeeze %dma_wait3A_396 : memref<1x1250x32xf32, #tpu.memory_space<vmem>> -> memref<1250x32xf32, #tpu.memory_space<vmem>>
    %dma_wait3A_398 = arith.constant 0 : i32
    %dma_wait3A_399 = tpu.memref_slice %arg5[%dma_wait3A_392, %dma_wait3A_398] : memref<3x1250xi32, #tpu.memory_space<vmem>> -> memref<1x1250xi32, #tpu.memory_space<vmem>>
    %dma_wait3A_400 = tpu.memref_squeeze %dma_wait3A_399 : memref<1x1250xi32, #tpu.memory_space<vmem>> -> memref<1250xi32, #tpu.memory_space<vmem>>
    %dma_wait3A_401 = arith.constant 0 : i32
    %dma_wait3A_402 = arith.constant 0 : i32
    %dma_wait3A_403 = tpu.memref_slice %arg3[%dma_wait3A_401, %dma_wait3A_402] : memref<100000x32xf32, #tpu.memory_space<hbm>> -> memref<100000x32xf32, #tpu.memory_space<hbm>>
    tpu.wait_indirect_dma semaphore(%arg11 : memref<!tpu.dma_semaphore, #tpu.memory_space<semaphore_mem>>) src(%dma_wait3A_403 : memref<100000x32xf32, #tpu.memory_space<hbm>>) dst(%dma_wait3A_397 : memref<1250x32xf32, #tpu.memory_space<vmem>>)
    %add3A_404 = arith.constant 224 : i32
    %add3A_405 = arith.addi %add3A, %add3A_404 : i32
    %dma_start3A_406 = arith.constant 1 : i32
    %dma_start3A_407 = arith.constant 0 : i32
    %dma_start3A_408 = tpu.memref_slice %arg5[%dma_start3A_406, %dma_start3A_407] : memref<3x1250xi32, #tpu.memory_space<vmem>> -> memref<1x1250xi32, #tpu.memory_space<vmem>>
    %dma_start3A_409 = tpu.memref_squeeze %dma_start3A_408 : memref<1x1250xi32, #tpu.memory_space<vmem>> -> memref<1250xi32, #tpu.memory_space<vmem>>
    %dma_start3A_410 = arith.constant 0 : i32
    %dma_start3A_411 = tpu.memref_slice %arg2[%add3A_405, %dma_start3A_410] : memref<320x1250xi32, #tpu.memory_space<hbm>> -> memref<1x1250xi32, #tpu.memory_space<hbm>>
    %dma_start3A_412 = tpu.memref_squeeze %dma_start3A_411 : memref<1x1250xi32, #tpu.memory_space<hbm>> -> memref<1250xi32, #tpu.memory_space<hbm>>
    %dma_start3A_413 = arith.constant 0 : i32
    %dma_start3A_414 = tpu.memref_slice %arg5[%dma_start3A_406, %dma_start3A_413] : memref<3x1250xi32, #tpu.memory_space<vmem>> -> memref<1x1250xi32, #tpu.memory_space<vmem>>
    %dma_start3A_415 = tpu.memref_squeeze %dma_start3A_414 : memref<1x1250xi32, #tpu.memory_space<vmem>> -> memref<1250xi32, #tpu.memory_space<vmem>>
    %dma_start3A_416 = arith.constant 0 : i32
    %dma_start3A_417 = tpu.memref_slice %arg2[%add3A_405, %dma_start3A_416] : memref<320x1250xi32, #tpu.memory_space<hbm>> -> memref<1x1250xi32, #tpu.memory_space<hbm>>
    %dma_start3A_418 = tpu.memref_squeeze %dma_start3A_417 : memref<1x1250xi32, #tpu.memory_space<hbm>> -> memref<1250xi32, #tpu.memory_space<hbm>>
    tpu.enqueue_dma source(%dma_start3A_418 : memref<1250xi32, #tpu.memory_space<hbm>>) target(%dma_start3A_415 : memref<1250xi32, #tpu.memory_space<vmem>>) target_semaphore(%arg8 : memref<!tpu.dma_semaphore, #tpu.memory_space<semaphore_mem>>)
    %dma_start3A_419 = arith.constant 1 : i32
    %dma_start3A_420 = arith.constant 1 : i32
    %dma_start3A_421 = arith.constant 0 : i32
    %dma_start3A_422 = arith.constant 0 : i32
    %dma_start3A_423 = tpu.memref_slice %arg6[%dma_start3A_419, %dma_start3A_421, %dma_start3A_422] : memref<3x1250x32xf32, #tpu.memory_space<vmem>> -> memref<1x1250x32xf32, #tpu.memory_space<vmem>>
    %dma_start3A_424 = tpu.memref_squeeze %dma_start3A_423 : memref<1x1250x32xf32, #tpu.memory_space<vmem>> -> memref<1250x32xf32, #tpu.memory_space<vmem>>
    %dma_start3A_425 = arith.constant 0 : i32
    %dma_start3A_426 = tpu.memref_slice %arg5[%dma_start3A_420, %dma_start3A_425] : memref<3x1250xi32, #tpu.memory_space<vmem>> -> memref<1x1250xi32, #tpu.memory_space<vmem>>
    %dma_start3A_427 = tpu.memref_squeeze %dma_start3A_426 : memref<1x1250xi32, #tpu.memory_space<vmem>> -> memref<1250xi32, #tpu.memory_space<vmem>>
    %dma_start3A_428 = arith.constant 0 : i32
    %dma_start3A_429 = arith.constant 0 : i32
    %dma_start3A_430 = tpu.memref_slice %arg4[%dma_start3A_428, %dma_start3A_429] : memref<400000x32xf32, #tpu.memory_space<hbm>> -> memref<400000x32xf32, #tpu.memory_space<hbm>>
    tpu.enqueue_indirect_dma source(%dma_start3A_424 : memref<1250x32xf32, #tpu.memory_space<vmem>>) target(%dma_start3A_430 : memref<400000x32xf32, #tpu.memory_space<hbm>>) offsets(%dma_start3A_427 : memref<1250xi32, #tpu.memory_space<vmem>>) semaphore(%arg14 : memref<!tpu.dma_semaphore, #tpu.memory_space<semaphore_mem>>)
    %dma_wait3A_431 = arith.constant 0 : i32
    %dma_wait3A_432 = arith.constant 0 : i32
    %dma_wait3A_433 = arith.constant 0 : i32
    %dma_wait3A_434 = tpu.memref_slice %arg5[%dma_wait3A_432, %dma_wait3A_433] : memref<3x1250xi32, #tpu.memory_space<vmem>> -> memref<1x1250xi32, #tpu.memory_space<vmem>>
    %dma_wait3A_435 = tpu.memref_squeeze %dma_wait3A_434 : memref<1x1250xi32, #tpu.memory_space<vmem>> -> memref<1250xi32, #tpu.memory_space<vmem>>
    %dma_wait3A_436 = arith.constant 0 : i32
    %dma_wait3A_437 = tpu.memref_slice %arg2[%dma_wait3A_431, %dma_wait3A_436] : memref<320x1250xi32, #tpu.memory_space<hbm>> -> memref<1x1250xi32, #tpu.memory_space<hbm>>
    %dma_wait3A_438 = tpu.memref_squeeze %dma_wait3A_437 : memref<1x1250xi32, #tpu.memory_space<hbm>> -> memref<1250xi32, #tpu.memory_space<hbm>>
    %dma_wait3A_439 = arith.constant 0 : i32
    %dma_wait3A_440 = tpu.memref_slice %arg5[%dma_wait3A_432, %dma_wait3A_439] : memref<3x1250xi32, #tpu.memory_space<vmem>> -> memref<1x1250xi32, #tpu.memory_space<vmem>>
    %dma_wait3A_441 = tpu.memref_squeeze %dma_wait3A_440 : memref<1x1250xi32, #tpu.memory_space<vmem>> -> memref<1250xi32, #tpu.memory_space<vmem>>
    %dma_wait3A_442 = arith.constant 0 : i32
    %dma_wait3A_443 = tpu.memref_slice %arg2[%dma_wait3A_431, %dma_wait3A_442] : memref<320x1250xi32, #tpu.memory_space<hbm>> -> memref<1x1250xi32, #tpu.memory_space<hbm>>
    %dma_wait3A_444 = tpu.memref_squeeze %dma_wait3A_443 : memref<1x1250xi32, #tpu.memory_space<hbm>> -> memref<1250xi32, #tpu.memory_space<hbm>>
    tpu.wait_dma2 semaphore(%arg7 : memref<!tpu.dma_semaphore, #tpu.memory_space<semaphore_mem>>) src(%dma_wait3A_444 : memref<1250xi32, #tpu.memory_space<hbm>>) dst(%dma_wait3A_441 : memref<1250xi32, #tpu.memory_space<vmem>>)
    %dma_wait3A_445 = arith.constant 0 : i32
    %dma_wait3A_446 = arith.constant 0 : i32
    %dma_wait3A_447 = arith.constant 0 : i32
    %dma_wait3A_448 = arith.constant 0 : i32
    %dma_wait3A_449 = tpu.memref_slice %arg6[%dma_wait3A_445, %dma_wait3A_447, %dma_wait3A_448] : memref<3x1250x32xf32, #tpu.memory_space<vmem>> -> memref<1x1250x32xf32, #tpu.memory_space<vmem>>
    %dma_wait3A_450 = tpu.memref_squeeze %dma_wait3A_449 : memref<1x1250x32xf32, #tpu.memory_space<vmem>> -> memref<1250x32xf32, #tpu.memory_space<vmem>>
    %dma_wait3A_451 = arith.constant 0 : i32
    %dma_wait3A_452 = tpu.memref_slice %arg5[%dma_wait3A_446, %dma_wait3A_451] : memref<3x1250xi32, #tpu.memory_space<vmem>> -> memref<1x1250xi32, #tpu.memory_space<vmem>>
    %dma_wait3A_453 = tpu.memref_squeeze %dma_wait3A_452 : memref<1x1250xi32, #tpu.memory_space<vmem>> -> memref<1250xi32, #tpu.memory_space<vmem>>
    %dma_wait3A_454 = arith.constant 0 : i32
    %dma_wait3A_455 = arith.constant 0 : i32
    %dma_wait3A_456 = tpu.memref_slice %arg4[%dma_wait3A_454, %dma_wait3A_455] : memref<400000x32xf32, #tpu.memory_space<hbm>> -> memref<400000x32xf32, #tpu.memory_space<hbm>>
    tpu.wait_indirect_dma semaphore(%arg13 : memref<!tpu.dma_semaphore, #tpu.memory_space<semaphore_mem>>) src(%dma_wait3A_450 : memref<1250x32xf32, #tpu.memory_space<vmem>>) dst(%dma_wait3A_456 : memref<400000x32xf32, #tpu.memory_space<hbm>>)
    %dma_start3A_457 = arith.constant 0 : i32
    %dma_start3A_458 = arith.constant 0 : i32
    %dma_start3A_459 = arith.constant 0 : i32
    %dma_start3A_460 = arith.constant 0 : i32
    %dma_start3A_461 = tpu.memref_slice %arg6[%dma_start3A_458, %dma_start3A_459, %dma_start3A_460] : memref<3x1250x32xf32, #tpu.memory_space<vmem>> -> memref<1x1250x32xf32, #tpu.memory_space<vmem>>
    %dma_start3A_462 = tpu.memref_squeeze %dma_start3A_461 : memref<1x1250x32xf32, #tpu.memory_space<vmem>> -> memref<1250x32xf32, #tpu.memory_space<vmem>>
    %dma_start3A_463 = arith.constant 0 : i32
    %dma_start3A_464 = tpu.memref_slice %arg5[%dma_start3A_457, %dma_start3A_463] : memref<3x1250xi32, #tpu.memory_space<vmem>> -> memref<1x1250xi32, #tpu.memory_space<vmem>>
    %dma_start3A_465 = tpu.memref_squeeze %dma_start3A_464 : memref<1x1250xi32, #tpu.memory_space<vmem>> -> memref<1250xi32, #tpu.memory_space<vmem>>
    %dma_start3A_466 = arith.constant 0 : i32
    %dma_start3A_467 = arith.constant 0 : i32
    %dma_start3A_468 = tpu.memref_slice %arg3[%dma_start3A_466, %dma_start3A_467] : memref<100000x32xf32, #tpu.memory_space<hbm>> -> memref<100000x32xf32, #tpu.memory_space<hbm>>
    tpu.enqueue_indirect_dma source(%dma_start3A_468 : memref<100000x32xf32, #tpu.memory_space<hbm>>) target(%dma_start3A_462 : memref<1250x32xf32, #tpu.memory_space<vmem>>) offsets(%dma_start3A_465 : memref<1250xi32, #tpu.memory_space<vmem>>) semaphore(%arg10 : memref<!tpu.dma_semaphore, #tpu.memory_space<semaphore_mem>>)
    %dma_wait3A_469 = arith.constant 2 : i32
    %dma_wait3A_470 = arith.constant 2 : i32
    %dma_wait3A_471 = arith.constant 0 : i32
    %dma_wait3A_472 = arith.constant 0 : i32
    %dma_wait3A_473 = tpu.memref_slice %arg6[%dma_wait3A_470, %dma_wait3A_471, %dma_wait3A_472] : memref<3x1250x32xf32, #tpu.memory_space<vmem>> -> memref<1x1250x32xf32, #tpu.memory_space<vmem>>
    %dma_wait3A_474 = tpu.memref_squeeze %dma_wait3A_473 : memref<1x1250x32xf32, #tpu.memory_space<vmem>> -> memref<1250x32xf32, #tpu.memory_space<vmem>>
    %dma_wait3A_475 = arith.constant 0 : i32
    %dma_wait3A_476 = tpu.memref_slice %arg5[%dma_wait3A_469, %dma_wait3A_475] : memref<3x1250xi32, #tpu.memory_space<vmem>> -> memref<1x1250xi32, #tpu.memory_space<vmem>>
    %dma_wait3A_477 = tpu.memref_squeeze %dma_wait3A_476 : memref<1x1250xi32, #tpu.memory_space<vmem>> -> memref<1250xi32, #tpu.memory_space<vmem>>
    %dma_wait3A_478 = arith.constant 0 : i32
    %dma_wait3A_479 = arith.constant 0 : i32
    %dma_wait3A_480 = tpu.memref_slice %arg3[%dma_wait3A_478, %dma_wait3A_479] : memref<100000x32xf32, #tpu.memory_space<hbm>> -> memref<100000x32xf32, #tpu.memory_space<hbm>>
    tpu.wait_indirect_dma semaphore(%arg12 : memref<!tpu.dma_semaphore, #tpu.memory_space<semaphore_mem>>) src(%dma_wait3A_480 : memref<100000x32xf32, #tpu.memory_space<hbm>>) dst(%dma_wait3A_474 : memref<1250x32xf32, #tpu.memory_space<vmem>>)
    %add3A_481 = arith.constant 256 : i32
    %add3A_482 = arith.addi %add3A, %add3A_481 : i32
    %dma_start3A_483 = arith.constant 2 : i32
    %dma_start3A_484 = arith.constant 0 : i32
    %dma_start3A_485 = tpu.memref_slice %arg5[%dma_start3A_483, %dma_start3A_484] : memref<3x1250xi32, #tpu.memory_space<vmem>> -> memref<1x1250xi32, #tpu.memory_space<vmem>>
    %dma_start3A_486 = tpu.memref_squeeze %dma_start3A_485 : memref<1x1250xi32, #tpu.memory_space<vmem>> -> memref<1250xi32, #tpu.memory_space<vmem>>
    %dma_start3A_487 = arith.constant 0 : i32
    %dma_start3A_488 = tpu.memref_slice %arg2[%add3A_482, %dma_start3A_487] : memref<320x1250xi32, #tpu.memory_space<hbm>> -> memref<1x1250xi32, #tpu.memory_space<hbm>>
    %dma_start3A_489 = tpu.memref_squeeze %dma_start3A_488 : memref<1x1250xi32, #tpu.memory_space<hbm>> -> memref<1250xi32, #tpu.memory_space<hbm>>
    %dma_start3A_490 = arith.constant 0 : i32
    %dma_start3A_491 = tpu.memref_slice %arg5[%dma_start3A_483, %dma_start3A_490] : memref<3x1250xi32, #tpu.memory_space<vmem>> -> memref<1x1250xi32, #tpu.memory_space<vmem>>
    %dma_start3A_492 = tpu.memref_squeeze %dma_start3A_491 : memref<1x1250xi32, #tpu.memory_space<vmem>> -> memref<1250xi32, #tpu.memory_space<vmem>>
    %dma_start3A_493 = arith.constant 0 : i32
    %dma_start3A_494 = tpu.memref_slice %arg2[%add3A_482, %dma_start3A_493] : memref<320x1250xi32, #tpu.memory_space<hbm>> -> memref<1x1250xi32, #tpu.memory_space<hbm>>
    %dma_start3A_495 = tpu.memref_squeeze %dma_start3A_494 : memref<1x1250xi32, #tpu.memory_space<hbm>> -> memref<1250xi32, #tpu.memory_space<hbm>>
    tpu.enqueue_dma source(%dma_start3A_495 : memref<1250xi32, #tpu.memory_space<hbm>>) target(%dma_start3A_492 : memref<1250xi32, #tpu.memory_space<vmem>>) target_semaphore(%arg9 : memref<!tpu.dma_semaphore, #tpu.memory_space<semaphore_mem>>)
    %dma_start3A_496 = arith.constant 2 : i32
    %dma_start3A_497 = arith.constant 2 : i32
    %dma_start3A_498 = arith.constant 0 : i32
    %dma_start3A_499 = arith.constant 0 : i32
    %dma_start3A_500 = tpu.memref_slice %arg6[%dma_start3A_496, %dma_start3A_498, %dma_start3A_499] : memref<3x1250x32xf32, #tpu.memory_space<vmem>> -> memref<1x1250x32xf32, #tpu.memory_space<vmem>>
    %dma_start3A_501 = tpu.memref_squeeze %dma_start3A_500 : memref<1x1250x32xf32, #tpu.memory_space<vmem>> -> memref<1250x32xf32, #tpu.memory_space<vmem>>
    %dma_start3A_502 = arith.constant 0 : i32
    %dma_start3A_503 = tpu.memref_slice %arg5[%dma_start3A_497, %dma_start3A_502] : memref<3x1250xi32, #tpu.memory_space<vmem>> -> memref<1x1250xi32, #tpu.memory_space<vmem>>
    %dma_start3A_504 = tpu.memref_squeeze %dma_start3A_503 : memref<1x1250xi32, #tpu.memory_space<vmem>> -> memref<1250xi32, #tpu.memory_space<vmem>>
    %dma_start3A_505 = arith.constant 0 : i32
    %dma_start3A_506 = arith.constant 0 : i32
    %dma_start3A_507 = tpu.memref_slice %arg4[%dma_start3A_505, %dma_start3A_506] : memref<400000x32xf32, #tpu.memory_space<hbm>> -> memref<400000x32xf32, #tpu.memory_space<hbm>>
    tpu.enqueue_indirect_dma source(%dma_start3A_501 : memref<1250x32xf32, #tpu.memory_space<vmem>>) target(%dma_start3A_507 : memref<400000x32xf32, #tpu.memory_space<hbm>>) offsets(%dma_start3A_504 : memref<1250xi32, #tpu.memory_space<vmem>>) semaphore(%arg15 : memref<!tpu.dma_semaphore, #tpu.memory_space<semaphore_mem>>)
    %dma_wait3A_508 = arith.constant 0 : i32
    %dma_wait3A_509 = arith.constant 1 : i32
    %dma_wait3A_510 = arith.constant 0 : i32
    %dma_wait3A_511 = tpu.memref_slice %arg5[%dma_wait3A_509, %dma_wait3A_510] : memref<3x1250xi32, #tpu.memory_space<vmem>> -> memref<1x1250xi32, #tpu.memory_space<vmem>>
    %dma_wait3A_512 = tpu.memref_squeeze %dma_wait3A_511 : memref<1x1250xi32, #tpu.memory_space<vmem>> -> memref<1250xi32, #tpu.memory_space<vmem>>
    %dma_wait3A_513 = arith.constant 0 : i32
    %dma_wait3A_514 = tpu.memref_slice %arg2[%dma_wait3A_508, %dma_wait3A_513] : memref<320x1250xi32, #tpu.memory_space<hbm>> -> memref<1x1250xi32, #tpu.memory_space<hbm>>
    %dma_wait3A_515 = tpu.memref_squeeze %dma_wait3A_514 : memref<1x1250xi32, #tpu.memory_space<hbm>> -> memref<1250xi32, #tpu.memory_space<hbm>>
    %dma_wait3A_516 = arith.constant 0 : i32
    %dma_wait3A_517 = tpu.memref_slice %arg5[%dma_wait3A_509, %dma_wait3A_516] : memref<3x1250xi32, #tpu.memory_space<vmem>> -> memref<1x1250xi32, #tpu.memory_space<vmem>>
    %dma_wait3A_518 = tpu.memref_squeeze %dma_wait3A_517 : memref<1x1250xi32, #tpu.memory_space<vmem>> -> memref<1250xi32, #tpu.memory_space<vmem>>
    %dma_wait3A_519 = arith.constant 0 : i32
    %dma_wait3A_520 = tpu.memref_slice %arg2[%dma_wait3A_508, %dma_wait3A_519] : memref<320x1250xi32, #tpu.memory_space<hbm>> -> memref<1x1250xi32, #tpu.memory_space<hbm>>
    %dma_wait3A_521 = tpu.memref_squeeze %dma_wait3A_520 : memref<1x1250xi32, #tpu.memory_space<hbm>> -> memref<1250xi32, #tpu.memory_space<hbm>>
    tpu.wait_dma2 semaphore(%arg8 : memref<!tpu.dma_semaphore, #tpu.memory_space<semaphore_mem>>) src(%dma_wait3A_521 : memref<1250xi32, #tpu.memory_space<hbm>>) dst(%dma_wait3A_518 : memref<1250xi32, #tpu.memory_space<vmem>>)
    %dma_wait3A_522 = arith.constant 1 : i32
    %dma_wait3A_523 = arith.constant 1 : i32
    %dma_wait3A_524 = arith.constant 0 : i32
    %dma_wait3A_525 = arith.constant 0 : i32
    %dma_wait3A_526 = tpu.memref_slice %arg6[%dma_wait3A_522, %dma_wait3A_524, %dma_wait3A_525] : memref<3x1250x32xf32, #tpu.memory_space<vmem>> -> memref<1x1250x32xf32, #tpu.memory_space<vmem>>
    %dma_wait3A_527 = tpu.memref_squeeze %dma_wait3A_526 : memref<1x1250x32xf32, #tpu.memory_space<vmem>> -> memref<1250x32xf32, #tpu.memory_space<vmem>>
    %dma_wait3A_528 = arith.constant 0 : i32
    %dma_wait3A_529 = tpu.memref_slice %arg5[%dma_wait3A_523, %dma_wait3A_528] : memref<3x1250xi32, #tpu.memory_space<vmem>> -> memref<1x1250xi32, #tpu.memory_space<vmem>>
    %dma_wait3A_530 = tpu.memref_squeeze %dma_wait3A_529 : memref<1x1250xi32, #tpu.memory_space<vmem>> -> memref<1250xi32, #tpu.memory_space<vmem>>
    %dma_wait3A_531 = arith.constant 0 : i32
    %dma_wait3A_532 = arith.constant 0 : i32
    %dma_wait3A_533 = tpu.memref_slice %arg4[%dma_wait3A_531, %dma_wait3A_532] : memref<400000x32xf32, #tpu.memory_space<hbm>> -> memref<400000x32xf32, #tpu.memory_space<hbm>>
    tpu.wait_indirect_dma semaphore(%arg14 : memref<!tpu.dma_semaphore, #tpu.memory_space<semaphore_mem>>) src(%dma_wait3A_527 : memref<1250x32xf32, #tpu.memory_space<vmem>>) dst(%dma_wait3A_533 : memref<400000x32xf32, #tpu.memory_space<hbm>>)
    %dma_start3A_534 = arith.constant 1 : i32
    %dma_start3A_535 = arith.constant 1 : i32
    %dma_start3A_536 = arith.constant 0 : i32
    %dma_start3A_537 = arith.constant 0 : i32
    %dma_start3A_538 = tpu.memref_slice %arg6[%dma_start3A_535, %dma_start3A_536, %dma_start3A_537] : memref<3x1250x32xf32, #tpu.memory_space<vmem>> -> memref<1x1250x32xf32, #tpu.memory_space<vmem>>
    %dma_start3A_539 = tpu.memref_squeeze %dma_start3A_538 : memref<1x1250x32xf32, #tpu.memory_space<vmem>> -> memref<1250x32xf32, #tpu.memory_space<vmem>>
    %dma_start3A_540 = arith.constant 0 : i32
    %dma_start3A_541 = tpu.memref_slice %arg5[%dma_start3A_534, %dma_start3A_540] : memref<3x1250xi32, #tpu.memory_space<vmem>> -> memref<1x1250xi32, #tpu.memory_space<vmem>>
    %dma_start3A_542 = tpu.memref_squeeze %dma_start3A_541 : memref<1x1250xi32, #tpu.memory_space<vmem>> -> memref<1250xi32, #tpu.memory_space<vmem>>
    %dma_start3A_543 = arith.constant 0 : i32
    %dma_start3A_544 = arith.constant 0 : i32
    %dma_start3A_545 = tpu.memref_slice %arg3[%dma_start3A_543, %dma_start3A_544] : memref<100000x32xf32, #tpu.memory_space<hbm>> -> memref<100000x32xf32, #tpu.memory_space<hbm>>
    tpu.enqueue_indirect_dma source(%dma_start3A_545 : memref<100000x32xf32, #tpu.memory_space<hbm>>) target(%dma_start3A_539 : memref<1250x32xf32, #tpu.memory_space<vmem>>) offsets(%dma_start3A_542 : memref<1250xi32, #tpu.memory_space<vmem>>) semaphore(%arg11 : memref<!tpu.dma_semaphore, #tpu.memory_space<semaphore_mem>>)
    %dma_wait3A_546 = arith.constant 0 : i32
    %dma_wait3A_547 = arith.constant 0 : i32
    %dma_wait3A_548 = arith.constant 0 : i32
    %dma_wait3A_549 = arith.constant 0 : i32
    %dma_wait3A_550 = tpu.memref_slice %arg6[%dma_wait3A_547, %dma_wait3A_548, %dma_wait3A_549] : memref<3x1250x32xf32, #tpu.memory_space<vmem>> -> memref<1x1250x32xf32, #tpu.memory_space<vmem>>
    %dma_wait3A_551 = tpu.memref_squeeze %dma_wait3A_550 : memref<1x1250x32xf32, #tpu.memory_space<vmem>> -> memref<1250x32xf32, #tpu.memory_space<vmem>>
    %dma_wait3A_552 = arith.constant 0 : i32
    %dma_wait3A_553 = tpu.memref_slice %arg5[%dma_wait3A_546, %dma_wait3A_552] : memref<3x1250xi32, #tpu.memory_space<vmem>> -> memref<1x1250xi32, #tpu.memory_space<vmem>>
    %dma_wait3A_554 = tpu.memref_squeeze %dma_wait3A_553 : memref<1x1250xi32, #tpu.memory_space<vmem>> -> memref<1250xi32, #tpu.memory_space<vmem>>
    %dma_wait3A_555 = arith.constant 0 : i32
    %dma_wait3A_556 = arith.constant 0 : i32
    %dma_wait3A_557 = tpu.memref_slice %arg3[%dma_wait3A_555, %dma_wait3A_556] : memref<100000x32xf32, #tpu.memory_space<hbm>> -> memref<100000x32xf32, #tpu.memory_space<hbm>>
    tpu.wait_indirect_dma semaphore(%arg10 : memref<!tpu.dma_semaphore, #tpu.memory_space<semaphore_mem>>) src(%dma_wait3A_557 : memref<100000x32xf32, #tpu.memory_space<hbm>>) dst(%dma_wait3A_551 : memref<1250x32xf32, #tpu.memory_space<vmem>>)
    %add3A_558 = arith.constant 288 : i32
    %add3A_559 = arith.addi %add3A, %add3A_558 : i32
    %dma_start3A_560 = arith.constant 0 : i32
    %dma_start3A_561 = arith.constant 0 : i32
    %dma_start3A_562 = tpu.memref_slice %arg5[%dma_start3A_560, %dma_start3A_561] : memref<3x1250xi32, #tpu.memory_space<vmem>> -> memref<1x1250xi32, #tpu.memory_space<vmem>>
    %dma_start3A_563 = tpu.memref_squeeze %dma_start3A_562 : memref<1x1250xi32, #tpu.memory_space<vmem>> -> memref<1250xi32, #tpu.memory_space<vmem>>
    %dma_start3A_564 = arith.constant 0 : i32
    %dma_start3A_565 = tpu.memref_slice %arg2[%add3A_559, %dma_start3A_564] : memref<320x1250xi32, #tpu.memory_space<hbm>> -> memref<1x1250xi32, #tpu.memory_space<hbm>>
    %dma_start3A_566 = tpu.memref_squeeze %dma_start3A_565 : memref<1x1250xi32, #tpu.memory_space<hbm>> -> memref<1250xi32, #tpu.memory_space<hbm>>
    %dma_start3A_567 = arith.constant 0 : i32
    %dma_start3A_568 = tpu.memref_slice %arg5[%dma_start3A_560, %dma_start3A_567] : memref<3x1250xi32, #tpu.memory_space<vmem>> -> memref<1x1250xi32, #tpu.memory_space<vmem>>
    %dma_start3A_569 = tpu.memref_squeeze %dma_start3A_568 : memref<1x1250xi32, #tpu.memory_space<vmem>> -> memref<1250xi32, #tpu.memory_space<vmem>>
    %dma_start3A_570 = arith.constant 0 : i32
    %dma_start3A_571 = tpu.memref_slice %arg2[%add3A_559, %dma_start3A_570] : memref<320x1250xi32, #tpu.memory_space<hbm>> -> memref<1x1250xi32, #tpu.memory_space<hbm>>
    %dma_start3A_572 = tpu.memref_squeeze %dma_start3A_571 : memref<1x1250xi32, #tpu.memory_space<hbm>> -> memref<1250xi32, #tpu.memory_space<hbm>>
    tpu.enqueue_dma source(%dma_start3A_572 : memref<1250xi32, #tpu.memory_space<hbm>>) target(%dma_start3A_569 : memref<1250xi32, #tpu.memory_space<vmem>>) target_semaphore(%arg7 : memref<!tpu.dma_semaphore, #tpu.memory_space<semaphore_mem>>)
    %dma_start3A_573 = arith.constant 0 : i32
    %dma_start3A_574 = arith.constant 0 : i32
    %dma_start3A_575 = arith.constant 0 : i32
    %dma_start3A_576 = arith.constant 0 : i32
    %dma_start3A_577 = tpu.memref_slice %arg6[%dma_start3A_573, %dma_start3A_575, %dma_start3A_576] : memref<3x1250x32xf32, #tpu.memory_space<vmem>> -> memref<1x1250x32xf32, #tpu.memory_space<vmem>>
    %dma_start3A_578 = tpu.memref_squeeze %dma_start3A_577 : memref<1x1250x32xf32, #tpu.memory_space<vmem>> -> memref<1250x32xf32, #tpu.memory_space<vmem>>
    %dma_start3A_579 = arith.constant 0 : i32
    %dma_start3A_580 = tpu.memref_slice %arg5[%dma_start3A_574, %dma_start3A_579] : memref<3x1250xi32, #tpu.memory_space<vmem>> -> memref<1x1250xi32, #tpu.memory_space<vmem>>
    %dma_start3A_581 = tpu.memref_squeeze %dma_start3A_580 : memref<1x1250xi32, #tpu.memory_space<vmem>> -> memref<1250xi32, #tpu.memory_space<vmem>>
    %dma_start3A_582 = arith.constant 0 : i32
    %dma_start3A_583 = arith.constant 0 : i32
    %dma_start3A_584 = tpu.memref_slice %arg4[%dma_start3A_582, %dma_start3A_583] : memref<400000x32xf32, #tpu.memory_space<hbm>> -> memref<400000x32xf32, #tpu.memory_space<hbm>>
    tpu.enqueue_indirect_dma source(%dma_start3A_578 : memref<1250x32xf32, #tpu.memory_space<vmem>>) target(%dma_start3A_584 : memref<400000x32xf32, #tpu.memory_space<hbm>>) offsets(%dma_start3A_581 : memref<1250xi32, #tpu.memory_space<vmem>>) semaphore(%arg13 : memref<!tpu.dma_semaphore, #tpu.memory_space<semaphore_mem>>)
    %dma_wait3A_585 = arith.constant 0 : i32
    %dma_wait3A_586 = arith.constant 2 : i32
    %dma_wait3A_587 = arith.constant 0 : i32
    %dma_wait3A_588 = tpu.memref_slice %arg5[%dma_wait3A_586, %dma_wait3A_587] : memref<3x1250xi32, #tpu.memory_space<vmem>> -> memref<1x1250xi32, #tpu.memory_space<vmem>>
    %dma_wait3A_589 = tpu.memref_squeeze %dma_wait3A_588 : memref<1x1250xi32, #tpu.memory_space<vmem>> -> memref<1250xi32, #tpu.memory_space<vmem>>
    %dma_wait3A_590 = arith.constant 0 : i32
    %dma_wait3A_591 = tpu.memref_slice %arg2[%dma_wait3A_585, %dma_wait3A_590] : memref<320x1250xi32, #tpu.memory_space<hbm>> -> memref<1x1250xi32, #tpu.memory_space<hbm>>
    %dma_wait3A_592 = tpu.memref_squeeze %dma_wait3A_591 : memref<1x1250xi32, #tpu.memory_space<hbm>> -> memref<1250xi32, #tpu.memory_space<hbm>>
    %dma_wait3A_593 = arith.constant 0 : i32
    %dma_wait3A_594 = tpu.memref_slice %arg5[%dma_wait3A_586, %dma_wait3A_593] : memref<3x1250xi32, #tpu.memory_space<vmem>> -> memref<1x1250xi32, #tpu.memory_space<vmem>>
    %dma_wait3A_595 = tpu.memref_squeeze %dma_wait3A_594 : memref<1x1250xi32, #tpu.memory_space<vmem>> -> memref<1250xi32, #tpu.memory_space<vmem>>
    %dma_wait3A_596 = arith.constant 0 : i32
    %dma_wait3A_597 = tpu.memref_slice %arg2[%dma_wait3A_585, %dma_wait3A_596] : memref<320x1250xi32, #tpu.memory_space<hbm>> -> memref<1x1250xi32, #tpu.memory_space<hbm>>
    %dma_wait3A_598 = tpu.memref_squeeze %dma_wait3A_597 : memref<1x1250xi32, #tpu.memory_space<hbm>> -> memref<1250xi32, #tpu.memory_space<hbm>>
    tpu.wait_dma2 semaphore(%arg9 : memref<!tpu.dma_semaphore, #tpu.memory_space<semaphore_mem>>) src(%dma_wait3A_598 : memref<1250xi32, #tpu.memory_space<hbm>>) dst(%dma_wait3A_595 : memref<1250xi32, #tpu.memory_space<vmem>>)
    %dma_wait3A_599 = arith.constant 2 : i32
    %dma_wait3A_600 = arith.constant 2 : i32
    %dma_wait3A_601 = arith.constant 0 : i32
    %dma_wait3A_602 = arith.constant 0 : i32
    %dma_wait3A_603 = tpu.memref_slice %arg6[%dma_wait3A_599, %dma_wait3A_601, %dma_wait3A_602] : memref<3x1250x32xf32, #tpu.memory_space<vmem>> -> memref<1x1250x32xf32, #tpu.memory_space<vmem>>
    %dma_wait3A_604 = tpu.memref_squeeze %dma_wait3A_603 : memref<1x1250x32xf32, #tpu.memory_space<vmem>> -> memref<1250x32xf32, #tpu.memory_space<vmem>>
    %dma_wait3A_605 = arith.constant 0 : i32
    %dma_wait3A_606 = tpu.memref_slice %arg5[%dma_wait3A_600, %dma_wait3A_605] : memref<3x1250xi32, #tpu.memory_space<vmem>> -> memref<1x1250xi32, #tpu.memory_space<vmem>>
    %dma_wait3A_607 = tpu.memref_squeeze %dma_wait3A_606 : memref<1x1250xi32, #tpu.memory_space<vmem>> -> memref<1250xi32, #tpu.memory_space<vmem>>
    %dma_wait3A_608 = arith.constant 0 : i32
    %dma_wait3A_609 = arith.constant 0 : i32
    %dma_wait3A_610 = tpu.memref_slice %arg4[%dma_wait3A_608, %dma_wait3A_609] : memref<400000x32xf32, #tpu.memory_space<hbm>> -> memref<400000x32xf32, #tpu.memory_space<hbm>>
    tpu.wait_indirect_dma semaphore(%arg15 : memref<!tpu.dma_semaphore, #tpu.memory_space<semaphore_mem>>) src(%dma_wait3A_604 : memref<1250x32xf32, #tpu.memory_space<vmem>>) dst(%dma_wait3A_610 : memref<400000x32xf32, #tpu.memory_space<hbm>>)
    %dma_start3A_611 = arith.constant 2 : i32
    %dma_start3A_612 = arith.constant 2 : i32
    %dma_start3A_613 = arith.constant 0 : i32
    %dma_start3A_614 = arith.constant 0 : i32
    %dma_start3A_615 = tpu.memref_slice %arg6[%dma_start3A_612, %dma_start3A_613, %dma_start3A_614] : memref<3x1250x32xf32, #tpu.memory_space<vmem>> -> memref<1x1250x32xf32, #tpu.memory_space<vmem>>
    %dma_start3A_616 = tpu.memref_squeeze %dma_start3A_615 : memref<1x1250x32xf32, #tpu.memory_space<vmem>> -> memref<1250x32xf32, #tpu.memory_space<vmem>>
    %dma_start3A_617 = arith.constant 0 : i32
    %dma_start3A_618 = tpu.memref_slice %arg5[%dma_start3A_611, %dma_start3A_617] : memref<3x1250xi32, #tpu.memory_space<vmem>> -> memref<1x1250xi32, #tpu.memory_space<vmem>>
    %dma_start3A_619 = tpu.memref_squeeze %dma_start3A_618 : memref<1x1250xi32, #tpu.memory_space<vmem>> -> memref<1250xi32, #tpu.memory_space<vmem>>
    %dma_start3A_620 = arith.constant 0 : i32
    %dma_start3A_621 = arith.constant 0 : i32
    %dma_start3A_622 = tpu.memref_slice %arg3[%dma_start3A_620, %dma_start3A_621] : memref<100000x32xf32, #tpu.memory_space<hbm>> -> memref<100000x32xf32, #tpu.memory_space<hbm>>
    tpu.enqueue_indirect_dma source(%dma_start3A_622 : memref<100000x32xf32, #tpu.memory_space<hbm>>) target(%dma_start3A_616 : memref<1250x32xf32, #tpu.memory_space<vmem>>) offsets(%dma_start3A_619 : memref<1250xi32, #tpu.memory_space<vmem>>) semaphore(%arg12 : memref<!tpu.dma_semaphore, #tpu.memory_space<semaphore_mem>>)
    %dma_wait3A_623 = arith.constant 1 : i32
    %dma_wait3A_624 = arith.constant 1 : i32
    %dma_wait3A_625 = arith.constant 0 : i32
    %dma_wait3A_626 = arith.constant 0 : i32
    %dma_wait3A_627 = tpu.memref_slice %arg6[%dma_wait3A_624, %dma_wait3A_625, %dma_wait3A_626] : memref<3x1250x32xf32, #tpu.memory_space<vmem>> -> memref<1x1250x32xf32, #tpu.memory_space<vmem>>
    %dma_wait3A_628 = tpu.memref_squeeze %dma_wait3A_627 : memref<1x1250x32xf32, #tpu.memory_space<vmem>> -> memref<1250x32xf32, #tpu.memory_space<vmem>>
    %dma_wait3A_629 = arith.constant 0 : i32
    %dma_wait3A_630 = tpu.memref_slice %arg5[%dma_wait3A_623, %dma_wait3A_629] : memref<3x1250xi32, #tpu.memory_space<vmem>> -> memref<1x1250xi32, #tpu.memory_space<vmem>>
    %dma_wait3A_631 = tpu.memref_squeeze %dma_wait3A_630 : memref<1x1250xi32, #tpu.memory_space<vmem>> -> memref<1250xi32, #tpu.memory_space<vmem>>
    %dma_wait3A_632 = arith.constant 0 : i32
    %dma_wait3A_633 = arith.constant 0 : i32
    %dma_wait3A_634 = tpu.memref_slice %arg3[%dma_wait3A_632, %dma_wait3A_633] : memref<100000x32xf32, #tpu.memory_space<hbm>> -> memref<100000x32xf32, #tpu.memory_space<hbm>>
    tpu.wait_indirect_dma semaphore(%arg11 : memref<!tpu.dma_semaphore, #tpu.memory_space<semaphore_mem>>) src(%dma_wait3A_634 : memref<100000x32xf32, #tpu.memory_space<hbm>>) dst(%dma_wait3A_628 : memref<1250x32xf32, #tpu.memory_space<vmem>>)
    %dma_start3A_635 = arith.constant 1 : i32
    %dma_start3A_636 = arith.constant 1 : i32
    %dma_start3A_637 = arith.constant 0 : i32
    %dma_start3A_638 = arith.constant 0 : i32
    %dma_start3A_639 = tpu.memref_slice %arg6[%dma_start3A_635, %dma_start3A_637, %dma_start3A_638] : memref<3x1250x32xf32, #tpu.memory_space<vmem>> -> memref<1x1250x32xf32, #tpu.memory_space<vmem>>
    %dma_start3A_640 = tpu.memref_squeeze %dma_start3A_639 : memref<1x1250x32xf32, #tpu.memory_space<vmem>> -> memref<1250x32xf32, #tpu.memory_space<vmem>>
    %dma_start3A_641 = arith.constant 0 : i32
    %dma_start3A_642 = tpu.memref_slice %arg5[%dma_start3A_636, %dma_start3A_641] : memref<3x1250xi32, #tpu.memory_space<vmem>> -> memref<1x1250xi32, #tpu.memory_space<vmem>>
    %dma_start3A_643 = tpu.memref_squeeze %dma_start3A_642 : memref<1x1250xi32, #tpu.memory_space<vmem>> -> memref<1250xi32, #tpu.memory_space<vmem>>
    %dma_start3A_644 = arith.constant 0 : i32
    %dma_start3A_645 = arith.constant 0 : i32
    %dma_start3A_646 = tpu.memref_slice %arg4[%dma_start3A_644, %dma_start3A_645] : memref<400000x32xf32, #tpu.memory_space<hbm>> -> memref<400000x32xf32, #tpu.memory_space<hbm>>
    tpu.enqueue_indirect_dma source(%dma_start3A_640 : memref<1250x32xf32, #tpu.memory_space<vmem>>) target(%dma_start3A_646 : memref<400000x32xf32, #tpu.memory_space<hbm>>) offsets(%dma_start3A_643 : memref<1250xi32, #tpu.memory_space<vmem>>) semaphore(%arg14 : memref<!tpu.dma_semaphore, #tpu.memory_space<semaphore_mem>>)
    %dma_wait3A_647 = arith.constant 0 : i32
    %dma_wait3A_648 = arith.constant 0 : i32
    %dma_wait3A_649 = arith.constant 0 : i32
    %dma_wait3A_650 = tpu.memref_slice %arg5[%dma_wait3A_648, %dma_wait3A_649] : memref<3x1250xi32, #tpu.memory_space<vmem>> -> memref<1x1250xi32, #tpu.memory_space<vmem>>
    %dma_wait3A_651 = tpu.memref_squeeze %dma_wait3A_650 : memref<1x1250xi32, #tpu.memory_space<vmem>> -> memref<1250xi32, #tpu.memory_space<vmem>>
    %dma_wait3A_652 = arith.constant 0 : i32
    %dma_wait3A_653 = tpu.memref_slice %arg2[%dma_wait3A_647, %dma_wait3A_652] : memref<320x1250xi32, #tpu.memory_space<hbm>> -> memref<1x1250xi32, #tpu.memory_space<hbm>>
    %dma_wait3A_654 = tpu.memref_squeeze %dma_wait3A_653 : memref<1x1250xi32, #tpu.memory_space<hbm>> -> memref<1250xi32, #tpu.memory_space<hbm>>
    %dma_wait3A_655 = arith.constant 0 : i32
    %dma_wait3A_656 = tpu.memref_slice %arg5[%dma_wait3A_648, %dma_wait3A_655] : memref<3x1250xi32, #tpu.memory_space<vmem>> -> memref<1x1250xi32, #tpu.memory_space<vmem>>
    %dma_wait3A_657 = tpu.memref_squeeze %dma_wait3A_656 : memref<1x1250xi32, #tpu.memory_space<vmem>> -> memref<1250xi32, #tpu.memory_space<vmem>>
    %dma_wait3A_658 = arith.constant 0 : i32
    %dma_wait3A_659 = tpu.memref_slice %arg2[%dma_wait3A_647, %dma_wait3A_658] : memref<320x1250xi32, #tpu.memory_space<hbm>> -> memref<1x1250xi32, #tpu.memory_space<hbm>>
    %dma_wait3A_660 = tpu.memref_squeeze %dma_wait3A_659 : memref<1x1250xi32, #tpu.memory_space<hbm>> -> memref<1250xi32, #tpu.memory_space<hbm>>
    tpu.wait_dma2 semaphore(%arg7 : memref<!tpu.dma_semaphore, #tpu.memory_space<semaphore_mem>>) src(%dma_wait3A_660 : memref<1250xi32, #tpu.memory_space<hbm>>) dst(%dma_wait3A_657 : memref<1250xi32, #tpu.memory_space<vmem>>)
    %dma_wait3A_661 = arith.constant 0 : i32
    %dma_wait3A_662 = arith.constant 0 : i32
    %dma_wait3A_663 = arith.constant 0 : i32
    %dma_wait3A_664 = arith.constant 0 : i32
    %dma_wait3A_665 = tpu.memref_slice %arg6[%dma_wait3A_661, %dma_wait3A_663, %dma_wait3A_664] : memref<3x1250x32xf32, #tpu.memory_space<vmem>> -> memref<1x1250x32xf32, #tpu.memory_space<vmem>>
    %dma_wait3A_666 = tpu.memref_squeeze %dma_wait3A_665 : memref<1x1250x32xf32, #tpu.memory_space<vmem>> -> memref<1250x32xf32, #tpu.memory_space<vmem>>
    %dma_wait3A_667 = arith.constant 0 : i32
    %dma_wait3A_668 = tpu.memref_slice %arg5[%dma_wait3A_662, %dma_wait3A_667] : memref<3x1250xi32, #tpu.memory_space<vmem>> -> memref<1x1250xi32, #tpu.memory_space<vmem>>
    %dma_wait3A_669 = tpu.memref_squeeze %dma_wait3A_668 : memref<1x1250xi32, #tpu.memory_space<vmem>> -> memref<1250xi32, #tpu.memory_space<vmem>>
    %dma_wait3A_670 = arith.constant 0 : i32
    %dma_wait3A_671 = arith.constant 0 : i32
    %dma_wait3A_672 = tpu.memref_slice %arg4[%dma_wait3A_670, %dma_wait3A_671] : memref<400000x32xf32, #tpu.memory_space<hbm>> -> memref<400000x32xf32, #tpu.memory_space<hbm>>
    tpu.wait_indirect_dma semaphore(%arg13 : memref<!tpu.dma_semaphore, #tpu.memory_space<semaphore_mem>>) src(%dma_wait3A_666 : memref<1250x32xf32, #tpu.memory_space<vmem>>) dst(%dma_wait3A_672 : memref<400000x32xf32, #tpu.memory_space<hbm>>)
    %dma_start3A_673 = arith.constant 0 : i32
    %dma_start3A_674 = arith.constant 0 : i32
    %dma_start3A_675 = arith.constant 0 : i32
    %dma_start3A_676 = arith.constant 0 : i32
    %dma_start3A_677 = tpu.memref_slice %arg6[%dma_start3A_674, %dma_start3A_675, %dma_start3A_676] : memref<3x1250x32xf32, #tpu.memory_space<vmem>> -> memref<1x1250x32xf32, #tpu.memory_space<vmem>>
    %dma_start3A_678 = tpu.memref_squeeze %dma_start3A_677 : memref<1x1250x32xf32, #tpu.memory_space<vmem>> -> memref<1250x32xf32, #tpu.memory_space<vmem>>
    %dma_start3A_679 = arith.constant 0 : i32
    %dma_start3A_680 = tpu.memref_slice %arg5[%dma_start3A_673, %dma_start3A_679] : memref<3x1250xi32, #tpu.memory_space<vmem>> -> memref<1x1250xi32, #tpu.memory_space<vmem>>
    %dma_start3A_681 = tpu.memref_squeeze %dma_start3A_680 : memref<1x1250xi32, #tpu.memory_space<vmem>> -> memref<1250xi32, #tpu.memory_space<vmem>>
    %dma_start3A_682 = arith.constant 0 : i32
    %dma_start3A_683 = arith.constant 0 : i32
    %dma_start3A_684 = tpu.memref_slice %arg3[%dma_start3A_682, %dma_start3A_683] : memref<100000x32xf32, #tpu.memory_space<hbm>> -> memref<100000x32xf32, #tpu.memory_space<hbm>>
    tpu.enqueue_indirect_dma source(%dma_start3A_684 : memref<100000x32xf32, #tpu.memory_space<hbm>>) target(%dma_start3A_678 : memref<1250x32xf32, #tpu.memory_space<vmem>>) offsets(%dma_start3A_681 : memref<1250xi32, #tpu.memory_space<vmem>>) semaphore(%arg10 : memref<!tpu.dma_semaphore, #tpu.memory_space<semaphore_mem>>)
    %dma_wait3A_685 = arith.constant 2 : i32
    %dma_wait3A_686 = arith.constant 2 : i32
    %dma_wait3A_687 = arith.constant 0 : i32
    %dma_wait3A_688 = arith.constant 0 : i32
    %dma_wait3A_689 = tpu.memref_slice %arg6[%dma_wait3A_686, %dma_wait3A_687, %dma_wait3A_688] : memref<3x1250x32xf32, #tpu.memory_space<vmem>> -> memref<1x1250x32xf32, #tpu.memory_space<vmem>>
    %dma_wait3A_690 = tpu.memref_squeeze %dma_wait3A_689 : memref<1x1250x32xf32, #tpu.memory_space<vmem>> -> memref<1250x32xf32, #tpu.memory_space<vmem>>
    %dma_wait3A_691 = arith.constant 0 : i32
    %dma_wait3A_692 = tpu.memref_slice %arg5[%dma_wait3A_685, %dma_wait3A_691] : memref<3x1250xi32, #tpu.memory_space<vmem>> -> memref<1x1250xi32, #tpu.memory_space<vmem>>
    %dma_wait3A_693 = tpu.memref_squeeze %dma_wait3A_692 : memref<1x1250xi32, #tpu.memory_space<vmem>> -> memref<1250xi32, #tpu.memory_space<vmem>>
    %dma_wait3A_694 = arith.constant 0 : i32
    %dma_wait3A_695 = arith.constant 0 : i32
    %dma_wait3A_696 = tpu.memref_slice %arg3[%dma_wait3A_694, %dma_wait3A_695] : memref<100000x32xf32, #tpu.memory_space<hbm>> -> memref<100000x32xf32, #tpu.memory_space<hbm>>
    tpu.wait_indirect_dma semaphore(%arg12 : memref<!tpu.dma_semaphore, #tpu.memory_space<semaphore_mem>>) src(%dma_wait3A_696 : memref<100000x32xf32, #tpu.memory_space<hbm>>) dst(%dma_wait3A_690 : memref<1250x32xf32, #tpu.memory_space<vmem>>)
    %dma_start3A_697 = arith.constant 2 : i32
    %dma_start3A_698 = arith.constant 2 : i32
    %dma_start3A_699 = arith.constant 0 : i32
    %dma_start3A_700 = arith.constant 0 : i32
    %dma_start3A_701 = tpu.memref_slice %arg6[%dma_start3A_697, %dma_start3A_699, %dma_start3A_700] : memref<3x1250x32xf32, #tpu.memory_space<vmem>> -> memref<1x1250x32xf32, #tpu.memory_space<vmem>>
    %dma_start3A_702 = tpu.memref_squeeze %dma_start3A_701 : memref<1x1250x32xf32, #tpu.memory_space<vmem>> -> memref<1250x32xf32, #tpu.memory_space<vmem>>
    %dma_start3A_703 = arith.constant 0 : i32
    %dma_start3A_704 = tpu.memref_slice %arg5[%dma_start3A_698, %dma_start3A_703] : memref<3x1250xi32, #tpu.memory_space<vmem>> -> memref<1x1250xi32, #tpu.memory_space<vmem>>
    %dma_start3A_705 = tpu.memref_squeeze %dma_start3A_704 : memref<1x1250xi32, #tpu.memory_space<vmem>> -> memref<1250xi32, #tpu.memory_space<vmem>>
    %dma_start3A_706 = arith.constant 0 : i32
    %dma_start3A_707 = arith.constant 0 : i32
    %dma_start3A_708 = tpu.memref_slice %arg4[%dma_start3A_706, %dma_start3A_707] : memref<400000x32xf32, #tpu.memory_space<hbm>> -> memref<400000x32xf32, #tpu.memory_space<hbm>>
    tpu.enqueue_indirect_dma source(%dma_start3A_702 : memref<1250x32xf32, #tpu.memory_space<vmem>>) target(%dma_start3A_708 : memref<400000x32xf32, #tpu.memory_space<hbm>>) offsets(%dma_start3A_705 : memref<1250xi32, #tpu.memory_space<vmem>>) semaphore(%arg15 : memref<!tpu.dma_semaphore, #tpu.memory_space<semaphore_mem>>)
    %dma_wait3A_709 = arith.constant 0 : i32
    %dma_wait3A_710 = arith.constant 0 : i32
    %dma_wait3A_711 = arith.constant 0 : i32
    %dma_wait3A_712 = arith.constant 0 : i32
    %dma_wait3A_713 = tpu.memref_slice %arg6[%dma_wait3A_710, %dma_wait3A_711, %dma_wait3A_712] : memref<3x1250x32xf32, #tpu.memory_space<vmem>> -> memref<1x1250x32xf32, #tpu.memory_space<vmem>>
    %dma_wait3A_714 = tpu.memref_squeeze %dma_wait3A_713 : memref<1x1250x32xf32, #tpu.memory_space<vmem>> -> memref<1250x32xf32, #tpu.memory_space<vmem>>
    %dma_wait3A_715 = arith.constant 0 : i32
    %dma_wait3A_716 = tpu.memref_slice %arg5[%dma_wait3A_709, %dma_wait3A_715] : memref<3x1250xi32, #tpu.memory_space<vmem>> -> memref<1x1250xi32, #tpu.memory_space<vmem>>
    %dma_wait3A_717 = tpu.memref_squeeze %dma_wait3A_716 : memref<1x1250xi32, #tpu.memory_space<vmem>> -> memref<1250xi32, #tpu.memory_space<vmem>>
    %dma_wait3A_718 = arith.constant 0 : i32
    %dma_wait3A_719 = arith.constant 0 : i32
    %dma_wait3A_720 = tpu.memref_slice %arg3[%dma_wait3A_718, %dma_wait3A_719] : memref<100000x32xf32, #tpu.memory_space<hbm>> -> memref<100000x32xf32, #tpu.memory_space<hbm>>
    tpu.wait_indirect_dma semaphore(%arg10 : memref<!tpu.dma_semaphore, #tpu.memory_space<semaphore_mem>>) src(%dma_wait3A_720 : memref<100000x32xf32, #tpu.memory_space<hbm>>) dst(%dma_wait3A_714 : memref<1250x32xf32, #tpu.memory_space<vmem>>)
    %dma_start3A_721 = arith.constant 0 : i32
    %dma_start3A_722 = arith.constant 0 : i32
    %dma_start3A_723 = arith.constant 0 : i32
    %dma_start3A_724 = arith.constant 0 : i32
    %dma_start3A_725 = tpu.memref_slice %arg6[%dma_start3A_721, %dma_start3A_723, %dma_start3A_724] : memref<3x1250x32xf32, #tpu.memory_space<vmem>> -> memref<1x1250x32xf32, #tpu.memory_space<vmem>>
    %dma_start3A_726 = tpu.memref_squeeze %dma_start3A_725 : memref<1x1250x32xf32, #tpu.memory_space<vmem>> -> memref<1250x32xf32, #tpu.memory_space<vmem>>
    %dma_start3A_727 = arith.constant 0 : i32
    %dma_start3A_728 = tpu.memref_slice %arg5[%dma_start3A_722, %dma_start3A_727] : memref<3x1250xi32, #tpu.memory_space<vmem>> -> memref<1x1250xi32, #tpu.memory_space<vmem>>
    %dma_start3A_729 = tpu.memref_squeeze %dma_start3A_728 : memref<1x1250xi32, #tpu.memory_space<vmem>> -> memref<1250xi32, #tpu.memory_space<vmem>>
    %dma_start3A_730 = arith.constant 0 : i32
    %dma_start3A_731 = arith.constant 0 : i32
    %dma_start3A_732 = tpu.memref_slice %arg4[%dma_start3A_730, %dma_start3A_731] : memref<400000x32xf32, #tpu.memory_space<hbm>> -> memref<400000x32xf32, #tpu.memory_space<hbm>>
    tpu.enqueue_indirect_dma source(%dma_start3A_726 : memref<1250x32xf32, #tpu.memory_space<vmem>>) target(%dma_start3A_732 : memref<400000x32xf32, #tpu.memory_space<hbm>>) offsets(%dma_start3A_729 : memref<1250xi32, #tpu.memory_space<vmem>>) semaphore(%arg13 : memref<!tpu.dma_semaphore, #tpu.memory_space<semaphore_mem>>)
    %dma_wait3A_733 = arith.constant 0 : i32
    %dma_wait3A_734 = arith.constant 0 : i32
    %dma_wait3A_735 = arith.constant 0 : i32
    %dma_wait3A_736 = arith.constant 0 : i32
    %dma_wait3A_737 = tpu.memref_slice %arg6[%dma_wait3A_733, %dma_wait3A_735, %dma_wait3A_736] : memref<3x1250x32xf32, #tpu.memory_space<vmem>> -> memref<1x1250x32xf32, #tpu.memory_space<vmem>>
    %dma_wait3A_738 = tpu.memref_squeeze %dma_wait3A_737 : memref<1x1250x32xf32, #tpu.memory_space<vmem>> -> memref<1250x32xf32, #tpu.memory_space<vmem>>
    %dma_wait3A_739 = arith.constant 0 : i32
    %dma_wait3A_740 = tpu.memref_slice %arg5[%dma_wait3A_734, %dma_wait3A_739] : memref<3x1250xi32, #tpu.memory_space<vmem>> -> memref<1x1250xi32, #tpu.memory_space<vmem>>
    %dma_wait3A_741 = tpu.memref_squeeze %dma_wait3A_740 : memref<1x1250xi32, #tpu.memory_space<vmem>> -> memref<1250xi32, #tpu.memory_space<vmem>>
    %dma_wait3A_742 = arith.constant 0 : i32
    %dma_wait3A_743 = arith.constant 0 : i32
    %dma_wait3A_744 = tpu.memref_slice %arg4[%dma_wait3A_742, %dma_wait3A_743] : memref<400000x32xf32, #tpu.memory_space<hbm>> -> memref<400000x32xf32, #tpu.memory_space<hbm>>
    tpu.wait_indirect_dma semaphore(%arg13 : memref<!tpu.dma_semaphore, #tpu.memory_space<semaphore_mem>>) src(%dma_wait3A_738 : memref<1250x32xf32, #tpu.memory_space<vmem>>) dst(%dma_wait3A_744 : memref<400000x32xf32, #tpu.memory_space<hbm>>)
    %dma_wait3A_745 = arith.constant 1 : i32
    %dma_wait3A_746 = arith.constant 1 : i32
    %dma_wait3A_747 = arith.constant 0 : i32
    %dma_wait3A_748 = arith.constant 0 : i32
    %dma_wait3A_749 = tpu.memref_slice %arg6[%dma_wait3A_745, %dma_wait3A_747, %dma_wait3A_748] : memref<3x1250x32xf32, #tpu.memory_space<vmem>> -> memref<1x1250x32xf32, #tpu.memory_space<vmem>>
    %dma_wait3A_750 = tpu.memref_squeeze %dma_wait3A_749 : memref<1x1250x32xf32, #tpu.memory_space<vmem>> -> memref<1250x32xf32, #tpu.memory_space<vmem>>
    %dma_wait3A_751 = arith.constant 0 : i32
    %dma_wait3A_752 = tpu.memref_slice %arg5[%dma_wait3A_746, %dma_wait3A_751] : memref<3x1250xi32, #tpu.memory_space<vmem>> -> memref<1x1250xi32, #tpu.memory_space<vmem>>
    %dma_wait3A_753 = tpu.memref_squeeze %dma_wait3A_752 : memref<1x1250xi32, #tpu.memory_space<vmem>> -> memref<1250xi32, #tpu.memory_space<vmem>>
    %dma_wait3A_754 = arith.constant 0 : i32
    %dma_wait3A_755 = arith.constant 0 : i32
    %dma_wait3A_756 = tpu.memref_slice %arg4[%dma_wait3A_754, %dma_wait3A_755] : memref<400000x32xf32, #tpu.memory_space<hbm>> -> memref<400000x32xf32, #tpu.memory_space<hbm>>
    tpu.wait_indirect_dma semaphore(%arg14 : memref<!tpu.dma_semaphore, #tpu.memory_space<semaphore_mem>>) src(%dma_wait3A_750 : memref<1250x32xf32, #tpu.memory_space<vmem>>) dst(%dma_wait3A_756 : memref<400000x32xf32, #tpu.memory_space<hbm>>)
    %dma_wait3A_757 = arith.constant 2 : i32
    %dma_wait3A_758 = arith.constant 2 : i32
    %dma_wait3A_759 = arith.constant 0 : i32
    %dma_wait3A_760 = arith.constant 0 : i32
    %dma_wait3A_761 = tpu.memref_slice %arg6[%dma_wait3A_757, %dma_wait3A_759, %dma_wait3A_760] : memref<3x1250x32xf32, #tpu.memory_space<vmem>> -> memref<1x1250x32xf32, #tpu.memory_space<vmem>>
    %dma_wait3A_762 = tpu.memref_squeeze %dma_wait3A_761 : memref<1x1250x32xf32, #tpu.memory_space<vmem>> -> memref<1250x32xf32, #tpu.memory_space<vmem>>
    %dma_wait3A_763 = arith.constant 0 : i32
    %dma_wait3A_764 = tpu.memref_slice %arg5[%dma_wait3A_758, %dma_wait3A_763] : memref<3x1250xi32, #tpu.memory_space<vmem>> -> memref<1x1250xi32, #tpu.memory_space<vmem>>
    %dma_wait3A_765 = tpu.memref_squeeze %dma_wait3A_764 : memref<1x1250xi32, #tpu.memory_space<vmem>> -> memref<1250xi32, #tpu.memory_space<vmem>>
    %dma_wait3A_766 = arith.constant 0 : i32
    %dma_wait3A_767 = arith.constant 0 : i32
    %dma_wait3A_768 = tpu.memref_slice %arg4[%dma_wait3A_766, %dma_wait3A_767] : memref<400000x32xf32, #tpu.memory_space<hbm>> -> memref<400000x32xf32, #tpu.memory_space<hbm>>
    tpu.wait_indirect_dma semaphore(%arg15 : memref<!tpu.dma_semaphore, #tpu.memory_space<semaphore_mem>>) src(%dma_wait3A_762 : memref<1250x32xf32, #tpu.memory_space<vmem>>) dst(%dma_wait3A_768 : memref<400000x32xf32, #tpu.memory_space<hbm>>)
    return
  }
}

</mosaic_0001>

<sc_bundles>
// kernel: _gather_sc.3.cloned.1.call-start
scs
__scs_entry_jumppad:
0x0: {  	(pc) =	sbr.rel $0x88, $3  }
0x1: {  	(tag) =	ssettag $0x0;
	lr =	simm.s32 $0x1  }
0x2: {  	[smem:$0x3F9F] =	sst lr;
	_ =	strace $0xD0000000  }
0x3: {  	_ = 	snop  }
0x4: {  	_ = 	snop  }
0x5: {  	_ = 	snop  }
0x6: {  	_ = 	snop  }
0x7: {  	_ = 	snop  }
__scs_overlays_trampoline_lowered:
0x8: {  	[smem:$0x3FAE] =	sst s0  }
0x9: {  	[smem:$0x3FAF] =	sst s1  }
0xa: {  	[smem:$0x3FB0] =	sst s2  }
0xb: {  	[smem:$0x3FB1] =	sst s3  }
0xc: {  	[smem:$0x3FB2] =	sst s4  }
0xd: {  	[smem:$0x3FB3] =	sst s5  }
0xe: {  	[smem:$0x3FB4] =	sst s6  }
0xf: {  	[smem:$0x3FB5] =	sst s7  }
0x10: {  	[smem:$0x3FB6] =	sst s8  }
0x11: {  	[smem:$0x3FB7] =	sst s9;
	s0 =	simm.s32 @!p0 $0x0  }
0x12: {  	s1 =	sld [smem:$0x3F9D];
	s0 =	simm.s32 @p0 $0x1  }
0x13: {  	[smem:$0x3FB8] =	sst s0;
	s0 =	simm.s32 @!p1 $0x0  }
0x14: {  	s2 =	sld [smem:$0x3F9C];
	s0 =	simm.s32 @p1 $0x1  }
0x15: {  	[smem:$0x3FB9] =	sst s0;
	s0 =	simm.s32 @!p2 $0x0  }
0x16: {  	s3 =	sld [smem:$0x3FDB];
	s0 =	simm.s32 @p2 $0x1  }
0x17: {  	s4 =	simm.s32 $0x1BF5;
	[smem:$0x3FBB] =	sst s0  }
0x18: {  	s0 =	sld [smem:$0x3F9E];
	_ =	swait.ge [sflag:s4], $0x0  }
0x19: {  	s7 =	sld [smem:$0x3F9F]  }
0x1a: {  	s8 =	sadd.s32 $0xFFFFE003, lr  }
0x1b: {  	s9 =	sadd.s32 $0xFFFFFEF7, lr;
	s5 =	simm.s32 $0xFFFFFFFF;
	p2 =	slt.u32 s8, $0xFFFFF086  }
0x1c: {  	p1 =	slt.u32 s9, $0xF7A;
	s5 =	simm.s32 @!p2 $0x0  }
0x1d: {  	s5 =	simm.s32 @p1 $0x1;
	p0 =	seq.s32 s7, s2  }
0x1e: {  	s7 =	smul.u32 @!p0 $0xF7A, s2;
	p2 =	seq.s32 @!p0 s5, $0x0  }
0x1f: {  	s9 =	smul.u32 $0xF7A, s1;
	s8 =	simm.s32 @!p0 $0x1BF5;
	p2 =	por !p2, p0  }
0x20: {  	[sflag:s8] =	ssyncset.s32 @!p0 $0xFFFFF086;
	s6 =	sadd.s32 @!p0 s3, s7;
	s7 =	simm.s32 @!p0 $0x108  }
0x21: {  	s3 =	sadd.s32 s3, s9;
	s6 =	sadd.s32 @!p0 $0x88, s6;
	s7 =	simm.s32 @p2 $0x1082  }
0x22: {  	[simem:s7], [sflag:s8] =	dma.local @!p0 [hbm:s6], $0xF7A  }
0x23: {  	s9 =	sor.u32 $0xD0000000, s2;
	s6 =	simm.s32 $0x108;
	_ =	swait.ge @!p0 [sflag:s8], $0x0  }
0x24: {  	s3 =	sadd.s32 $0x88, s3;
	s6 =	simm.s32 @!p1 $0x1082;
	[sflag:s4] =	ssyncset.s32 $0xFFFFF086  }
0x25: {  	[simem:s6], [sflag:s4] =	dma.local [hbm:s3], $0xF7A  }
0x26: {  	[smem:$0x3F9F] =	sst s1;
	(tag) =	ssettag s2;
	_ =	strace s9  }
0x27: {  	s1 =	sld [smem:$0x3FAF]  }
0x28: {  	s2 =	sld [smem:$0x3FB0]  }
0x29: {  	s4 =	sld [smem:$0x3FB2]  }
0x2a: {  	p0 =	seq.s32 s5, $0x0;
	s5 =	sld [smem:$0x3FB3]  }
0x2b: {  	s6 =	sld [smem:$0x3FB4]  }
0x2c: {  	s7 =	sld [smem:$0x3FB5]  }
0x2d: {  	s3 =	simm.s32 $0x108;
	s8 =	sld [smem:$0x3FB6]  }
0x2e: {  	s3 =	simm.s32 @!p0 $0x1082;
	s9 =	sld [smem:$0x3FB7]  }
0x2f: {  	lr =	sadd.s32 s0, s3;
	s0 =	sld [smem:$0x3FAE]  }
0x30: {  	s3 =	sld [smem:$0x3FB1]  }
0x31: {  	[smem:$0x3FBA] =	sst s10  }
0x32: {  	s10 =	sld [smem:$0x3FB8];
	_ =	sdelay $0x3  }
0x33: {  	p0 =	seq.s32 s10, $0x1;
	s10 =	sld [smem:$0x3FBA];
	_ =	sdelay $0x3  }
0x34: {  	[smem:$0x3FBA] =	sst s10  }
0x35: {  	s10 =	sld [smem:$0x3FB9];
	_ =	sdelay $0x3  }
0x36: {  	p1 =	seq.s32 s10, $0x1;
	s10 =	sld [smem:$0x3FBA];
	_ =	sdelay $0x3  }
0x37: {  	[smem:$0x3FBA] =	sst s10  }
0x38: {  	s10 =	sld [smem:$0x3FBB]  }
0x39: {  	_ = 	snop;
	(pc) =	sbr.ind lr, $3  }
0x3a: {  	_ = 	snop  }
0x3b: {  	_ = 	snop  }
0x3c: {  	p2 =	seq.s32 s10, $0x1;
	s10 =	sld [smem:$0x3FBA]  }
0x3d: {  	_ =	shalt  }
0x3e: {  	_ =	shalt  }
0x3f: {  	_ =	shalt  }
0x40: {  	_ =	shalt  }
0x41: {  	_ =	shalt  }
0x42: {  	_ =	shalt  }
0x43: {  	_ =	shalt  }
0x44: {  	_ =	shalt  }
0x45: {  	_ =	shalt  }
0x46: {  	_ =	shalt  }
0x47: {  	_ =	shalt  }
0x48: {  	_ =	shalt  }
0x49: {  	_ =	shalt  }
0x4a: {  	_ =	shalt  }
0x4b: {  	_ =	shalt  }
0x4c: {  	_ =	shalt  }
0x4d: {  	_ =	shalt  }
0x4e: {  	_ =	shalt  }
0x4f: {  	_ =	shalt  }
0x50: {  	_ =	shalt  }
0x51: {  	_ =	shalt  }
0x52: {  	_ =	shalt  }
0x53: {  	_ =	shalt  }
0x54: {  	_ =	shalt  }
0x55: {  	_ =	shalt  }
0x56: {  	_ =	shalt  }
0x57: {  	_ =	shalt  }
0x58: {  	_ =	shalt  }
0x59: {  	_ =	shalt  }
0x5a: {  	_ =	shalt  }
0x5b: {  	_ =	shalt  }
0x5c: {  	_ =	shalt  }
0x5d: {  	_ =	shalt  }
0x5e: {  	_ =	shalt  }
0x5f: {  	_ =	shalt  }
0x60: {  	_ =	shalt  }
0x61: {  	_ =	shalt  }
0x62: {  	_ =	shalt  }
0x63: {  	_ =	shalt  }
0x64: {  	_ =	shalt  }
0x65: {  	_ =	shalt  }
0x66: {  	_ =	shalt  }
0x67: {  	_ =	shalt  }
0x68: {  	_ =	shalt  }
0x69: {  	_ =	shalt  }
0x6a: {  	_ =	shalt  }
0x6b: {  	_ =	shalt  }
0x6c: {  	_ =	shalt  }
0x6d: {  	_ =	shalt  }
0x6e: {  	_ =	shalt  }
0x6f: {  	_ =	shalt  }
0x70: {  	_ =	shalt  }
0x71: {  	_ =	shalt  }
0x72: {  	_ =	shalt  }
0x73: {  	_ =	shalt  }
0x74: {  	_ =	shalt  }
0x75: {  	_ =	shalt  }
0x76: {  	_ =	shalt  }
0x77: {  	_ =	shalt  }
0x78: {  	_ =	shalt  }
0x79: {  	_ =	shalt  }
0x7a: {  	_ =	shalt  }
0x7b: {  	_ =	shalt  }
0x7c: {  	_ =	shalt  }
0x7d: {  	_ =	shalt  }
0x7e: {  	_ =	shalt  }
0x7f: {  	_ =	shalt  }
0x80: {  	_ =	shalt  }
0x81: {  	_ =	shalt  }
0x82: {  	_ =	shalt  }
0x83: {  	_ =	shalt  }
0x84: {  	_ =	shalt  }
0x85: {  	_ =	shalt  }
0x86: {  	_ =	shalt  }
0x87: {  	_ =	shalt  }
.Lfunc_end0:
.L_simem_size_0:
called_computation.1_lowered:
.L_overlay_start_0:
0x88: {  	s2 =	sld [smem:$0x3FD9]  }
0x89: {  	s3 =	sld [smem:$0x3FFE];
	_ =	sdelay $0x1  }
0x8a: {  	s1 =	srdreg.scid  }
0x8b: {  	s0 =	sand.u32 $0x1, s1  }
0x8c: {  	s17 =	sshll.u32 s0, $0xA;
	s2 =	sadd.s32 s3, s2  }
0x8d: {  	s2 =	sadd.s32 s2, s17  }
0x8e: {  	[smem:$0x3FC6] =	sst s2  }
0x8f: {  	_ = 	snop  }
0x90: {  	s2 =	sld [smem:$0x3FD0];
	(tm) =	ssettm $0x1  }
0x91: {  	s18 =	sld [smem:$0x3FFB];
	_ =	sdelay $0x3  }
0x92: {  	_ =	strace s18  }
0x93: {  	s3 =	sld [smem:$0x3FFC];
	_ =	sdelay $0x3  }
0x94: {  	_ =	strace s3  }
0x95: {  	s3 =	sld [smem:$0x3FFD];
	_ =	sdelay $0x3  }
0x96: {  	_ =	strace s3  }
0x97: {  	_ =	strace $0x8FFFFFFF  }
0x98: {  	s19 =	sld [smem:$0x3FDB];
	_ =	sdelay $0x1  }
0x99: {  	s4 =	simm.s32 $_scs_section_size  }
0x9a: {  	s5 =	simm.s32 $_size__tile_overlayer_lowered;
	s6 =	simm.s32 $_tile_overlayer_lowered  }
0x9b: {  	s22 =	simm.s32 $0x1BFF;
	s21 =	sshll.u32 s6, $0x1;
	s3 =	sadd.s32 s4, s19  }
0x9c: {  	s7 =	simm.s32 $0x0;
	s20 =	sshll.u32 s5, $0x1;
	s5 =	sadd.s32 s21, s3  }
0x9d: {  	[timem:s7], [sflag:s22] =	dma.local [hbm:s5], s20  }
0x9e: {  	_ =	swait.ge [sflag:s22], s20  }
0x9f: {  	s4 =	ssub.s32 $0x0, s20;
	[sflag:s22] =	ssyncset.done $0x0  }
0xa0: {  	[sflag:s22] =	ssyncadd.s32 s4;
	_ =	sdelay $0x1  }
0xa1: {  	s23 =	simm.s32 $0x1B8B  }
0xa2: {  	_ =	swait.ge [sflag:s23], $0x1  }
0xa3: {  	[sflag:s23] =	ssyncset.done $0x0  }
0xa4: {  	s25 =	simm.s32 $0x1B8E;
	s24 =	sld [smem:$0x3FFE];
	[sflag:s23] =	ssyncadd.s32 $0xFFFFFFFF  }
0xa5: {  	s26 =	simm.s32 $execute0_lowered;
	[smem:$0x3FD2] =	sst s25  }
0xa6: {  	s5 =	sshll.u32 s26, $0x1;
	_ =	strace $0x80000046;
	[dreg:$0x1] =	wrdreg $0xFFFFFFFF  }
0xa7: {  	s28 =	simm.s32 $_size_execute0_lowered;
	s3 =	sadd.s32 s3, s5;
	[dreg:$0x0] =	wrdreg $0x0  }
0xa8: {  	s5 =	sshll.u32 s28, $0x1;
	[dreg:$0x2] =	wrdreg s3  }
0xa9: {  	[dreg:$0x3] =	wrdreg s5  }
0xaa: {  	[dreg:$0x4] =	wrdreg $0xC0  }
0xab: {  	_ =	task [dreg:s7], $0x5FFFF  }
0xac: {  	[dreg:$0x1] =	wrdreg $0xFFFFFFFF  }
0xad: {  	[dreg:$0x0] =	wrdreg $0x60  }
0xae: {  	[dreg:$0x2] =	wrdreg s24  }
0xaf: {  	[dreg:$0x3] =	wrdreg s2  }
0xb0: {  	[dreg:$0x4] =	wrdreg $0x9  }
0xb1: {  	_ =	task.clear_ibuf [dreg:s7], $0x5FFFF;
	_ =	strace $0x90000046  }
0xb2: {  	s29 =	simm.s32 $0x9;
	_ =	strace $0x80000048  }
0xb3: {  	_ =	swait.ge [sflag:s29], $0x1  }
0xb4: {  	[sflag:s29] =	ssyncadd.s32 $0xFFFFFFFF  }
0xb5: {  	_ =	strace $0x90000048  }
0xb6: {  	_ =	sfence  }
0xb7: {  	s30 =	sld [smem:$0x0];
	_ =	sdelay $0x2  }
0xb8: {  	s31 =	sshll.u32 s1, $0xD;
	s1 =	sshrl.u32 s1, $0x2  }
0xb9: {  	s3 =	sand.u32 $0x4000, s31;
	s1 =	sadd.s32 s1, s30  }
0xba: {  	s0 =	sor.u32 s3, s0;
	s1 =	sshll.u32 s1, $0x11  }
0xbb: {  	s0 =	sor.u32 s1, s0  }
0xbc: {  	s0 =	sadd.s32 $0x8F2B, s0  }
0xbd: {  	[sflag:s0] =	ssyncadd.remote.s32 $0x1  }
0xbe: {  	_ =	sfence.sel $0xFFFF  }
0xbf: {  	[dreg:$0x0] =	wrdreg $0xFFFFFFFF;
	(pc) =	sbr.abs _section_cstart, $3  }
0xc0: {  	[dreg:$0x1] =	wrdreg $0xFFFFFFFF  }
0xc1: {  	_ =	task.clear_ibuf [dreg:s7], $0x2FFFF;
	_ =	strace $0x9FFFFFFF  }
0xc2: {  	(tm) =	ssettm $0x7FFFFFFF  }
0xc3: {  	_ =	shalt  }
tec
execute0_lowered:
.L_overlay_start_1:
0x0: {  	(tag) =	ssettag $0x1  }
0x1: {  	s1 =	srdreg.scid;
	s0 =	stileid.u32  }
0x2: {  	s31 =	sand.u32 $0x1, s1;
	s26 =	sshll.u32 s0, $0x1  }
0x3: {  	s4 =	sor.u32 s31, s26  }
0x4: {  	s10 =	rddreg [dreg:$0x0];
	s5 =	smul.u32 $0x4E8, s4  }
0x5: {  	s2 =	rddreg [dreg:$0x1];
	s3 =	simm.s32 $0x0;
	s4 =	smul.u32 $0x9D, s4  }
0x6: {  	[smem:$0x7FF] =	sst s3;
	s6 =	sadd.s32 $0x800, s10;
	s5 =	sshrl.u32 s5, $0x3  }
0x7: {  	_ =	strace $0x80000047;
	s4 =	sadd.s32 s6, s4;
	s30 =	sadd.s32 s6, s5  }
0x8: {  	[tilespmem:s3], [sflag:$0x1] =	stream.linear.gather [hbm4b:s4+s3], $0x4E8, $0x38;
	[tilespmem:$0x1E378] =	vst v63  }
0x9: {  	s6 =	simm.s32 $0x4E8;
	s5 =	sadd.s32 $0x13A0, s30  }
0xa: {  	[tilespmem:s6], [sflag:$0x2] =	stream.linear.gather [hbm4b:s5+s3], $0x4E8, $0x38;
	[tilespmem:$0x1E378] =	vst v63  }
0xb: {  	s8 =	simm.s32 $0x9D0;
	s9 =	simm.s32 $0x1;
	s7 =	sadd.s32 $0x2740, s30  }
0xc: {  	[tilespmem:s8], [sflag:$0x3] =	stream.linear.gather [hbm4b:s7+s3], $0x4E8, $0x38;
	[tilespmem:$0x1E378] =	vst v63  }
0xd: {  	_ =	swait.ge [sflag:s9], $0x4E8  }
0xe: {  	s11 =	simm.s32 $0x4E2;
	s12 =	simm.s32 $0xEB8;
	[sflag:s9] =	ssyncset.done $0x0  }
0xf: {  	s13 =	simm.s32 $0x2;
	s10 =	sadd.s32 $0xCE00, s10;
	[sflag:s9] =	ssyncadd.s32 $0xFFFFFB18  }
0x10: {  	[tilespmem:s12], [sflag:$0x4] =	stream.indirect.gather [hbm4b:s10+s11], $0x20, s3, s11, $0xb8;
	[tilespmem:$0x1E378] =	vst v63  }
0x11: {  	_ =	swait.ge [sflag:s13], $0x4E8  }
0x12: {  	[sflag:s13] =	ssyncset.done $0x0  }
0x13: {  	s14 =	simm.s32 $0xAAF8;
	s15 =	simm.s32 $0x4;
	[sflag:s13] =	ssyncadd.s32 $0xFFFFFB18  }
0x14: {  	[tilespmem:s14], [sflag:$0x5] =	stream.indirect.gather [hbm4b:s10+s11], $0x20, s6, s11, $0xb8;
	[tilespmem:$0x1E378] =	vst v63  }
0x15: {  	_ =	swait.ge [sflag:s15], $0x9C40  }
0x16: {  	[sflag:s15] =	ssyncset.done $0x0  }
0x17: {  	s16 =	sadd.s32 $0x3AE0, s30;
	[sflag:s15] =	ssyncadd.s32 $0xFFFF63C0  }
0x18: {  	[tilespmem:s3], [sflag:$0x1] =	stream.linear.gather [hbm4b:s16+s3], $0x4E8, $0x38;
	[tilespmem:$0x1E378] =	vst v63  }
0x19: {  	s17 =	simm.s32 $0x3  }
0x1a: {  	[hbm4b:s2+s11] =	stream.indirect.scatter [tilespmem:s12], [sflag:$0x7], $0x20, s3, s11, $0xb8;
	[tilespmem:$0x1E378] =	vst v63  }
0x1b: {  	_ =	swait.ge [sflag:s17], $0x4E8  }
0x1c: {  	[sflag:s17] =	ssyncset.done $0x0  }
0x1d: {  	s18 =	simm.s32 $0x14738;
	s19 =	simm.s32 $0x5;
	[sflag:s17] =	ssyncadd.s32 $0xFFFFFB18  }
0x1e: {  	[tilespmem:s18], [sflag:$0x6] =	stream.indirect.gather [hbm4b:s10+s11], $0x20, s8, s11, $0xb8;
	[tilespmem:$0x1E378] =	vst v63  }
0x1f: {  	_ =	swait.ge [sflag:s19], $0x9C40  }
0x20: {  	[sflag:s19] =	ssyncset.done $0x0  }
0x21: {  	s20 =	sadd.s32 $0x4E80, s30;
	[sflag:s19] =	ssyncadd.s32 $0xFFFF63C0  }
0x22: {  	[tilespmem:s6], [sflag:$0x2] =	stream.linear.gather [hbm4b:s20+s3], $0x4E8, $0x38;
	[tilespmem:$0x1E378] =	vst v63  }
0x23: {  	_ = 	snop  }
0x24: {  	[hbm4b:s2+s11] =	stream.indirect.scatter [tilespmem:s14], [sflag:$0x8], $0x20, s6, s11, $0xb8;
	[tilespmem:$0x1E378] =	vst v63  }
0x25: {  	_ =	swait.ge [sflag:s9], $0x4E8  }
0x26: {  	[sflag:s9] =	ssyncset.done $0x0  }
0x27: {  	s21 =	simm.s32 $0x7;
	[sflag:s9] =	ssyncadd.s32 $0xFFFFFB18  }
0x28: {  	_ =	swait.ge [sflag:s21], $0x9C40  }
0x29: {  	[sflag:s21] =	ssyncset.done $0x0  }
0x2a: {  	s22 =	simm.s32 $0x6;
	[sflag:s21] =	ssyncadd.s32 $0xFFFF63C0  }
0x2b: {  	[tilespmem:s12], [sflag:$0x4] =	stream.indirect.gather [hbm4b:s10+s11], $0x20, s3, s11, $0xb8;
	[tilespmem:$0x1E378] =	vst v63  }
0x2c: {  	_ =	swait.ge [sflag:s22], $0x9C40  }
0x2d: {  	[sflag:s22] =	ssyncset.done $0x0  }
0x2e: {  	s23 =	sadd.s32 $0x6220, s30;
	[sflag:s22] =	ssyncadd.s32 $0xFFFF63C0  }
0x2f: {  	[tilespmem:s8], [sflag:$0x3] =	stream.linear.gather [hbm4b:s23+s3], $0x4E8, $0x38;
	[tilespmem:$0x1E378] =	vst v63  }
0x30: {  	_ = 	snop  }
0x31: {  	[hbm4b:s2+s11] =	stream.indirect.scatter [tilespmem:s18], [sflag:$0x9], $0x20, s8, s11, $0xb8;
	[tilespmem:$0x1E378] =	vst v63  }
0x32: {  	_ =	swait.ge [sflag:s13], $0x4E8  }
0x33: {  	[sflag:s13] =	ssyncset.done $0x0  }
0x34: {  	s24 =	simm.s32 $0x8;
	[sflag:s13] =	ssyncadd.s32 $0xFFFFFB18  }
0x35: {  	_ =	swait.ge [sflag:s24], $0x9C40  }
0x36: {  	[sflag:s24] =	ssyncset.done $0x0  }
0x37: {  	[sflag:s24] =	ssyncadd.s32 $0xFFFF63C0  }
0x38: {  	[tilespmem:s14], [sflag:$0x5] =	stream.indirect.gather [hbm4b:s10+s11], $0x20, s6, s11, $0xb8;
	[tilespmem:$0x1E378] =	vst v63  }
0x39: {  	_ =	swait.ge [sflag:s15], $0x9C40  }
0x3a: {  	[sflag:s15] =	ssyncset.done $0x0  }
0x3b: {  	s25 =	sadd.s32 $0x75C0, s30;
	[sflag:s15] =	ssyncadd.s32 $0xFFFF63C0  }
0x3c: {  	[tilespmem:s3], [sflag:$0x1] =	stream.linear.gather [hbm4b:s25+s3], $0x4E8, $0x38;
	[tilespmem:$0x1E378] =	vst v63  }
0x3d: {  	_ = 	snop  }
0x3e: {  	[hbm4b:s2+s11] =	stream.indirect.scatter [tilespmem:s12], [sflag:$0x7], $0x20, s3, s11, $0xb8;
	[tilespmem:$0x1E378] =	vst v63  }
0x3f: {  	_ =	swait.ge [sflag:s17], $0x4E8  }
0x40: {  	[sflag:s17] =	ssyncset.done $0x0  }
0x41: {  	s26 =	simm.s32 $0x9;
	[sflag:s17] =	ssyncadd.s32 $0xFFFFFB18  }
0x42: {  	_ =	swait.ge [sflag:s26], $0x9C40  }
0x43: {  	[sflag:s26] =	ssyncset.done $0x0  }
0x44: {  	[sflag:s26] =	ssyncadd.s32 $0xFFFF63C0  }
0x45: {  	[tilespmem:s18], [sflag:$0x6] =	stream.indirect.gather [hbm4b:s10+s11], $0x20, s8, s11, $0xb8;
	[tilespmem:$0x1E378] =	vst v63  }
0x46: {  	_ =	swait.ge [sflag:s19], $0x9C40  }
0x47: {  	[sflag:s19] =	ssyncset.done $0x0  }
0x48: {  	s28 =	sadd.s32 $0x8960, s30;
	[sflag:s19] =	ssyncadd.s32 $0xFFFF63C0  }
0x49: {  	[tilespmem:s6], [sflag:$0x2] =	stream.linear.gather [hbm4b:s28+s3], $0x4E8, $0x38;
	[tilespmem:$0x1E378] =	vst v63  }
0x4a: {  	_ = 	snop  }
0x4b: {  	[hbm4b:s2+s11] =	stream.indirect.scatter [tilespmem:s14], [sflag:$0x8], $0x20, s6, s11, $0xb8;
	[tilespmem:$0x1E378] =	vst v63  }
0x4c: {  	_ =	swait.ge [sflag:s9], $0x4E8  }
0x4d: {  	[sflag:s9] =	ssyncset.done $0x0  }
0x4e: {  	[sflag:s9] =	ssyncadd.s32 $0xFFFFFB18  }
0x4f: {  	_ =	swait.ge [sflag:s21], $0x9C40  }
0x50: {  	[sflag:s21] =	ssyncset.done $0x0  }
0x51: {  	[sflag:s21] =	ssyncadd.s32 $0xFFFF63C0  }
0x52: {  	[tilespmem:s12], [sflag:$0x4] =	stream.indirect.gather [hbm4b:s10+s11], $0x20, s3, s11, $0xb8;
	[tilespmem:$0x1E378] =	vst v63  }
0x53: {  	_ =	swait.ge [sflag:s22], $0x9C40  }
0x54: {  	[sflag:s22] =	ssyncset.done $0x0  }
0x55: {  	s29 =	sadd.s32 $0x9D00, s30;
	[sflag:s22] =	ssyncadd.s32 $0xFFFF63C0  }
0x56: {  	[tilespmem:s8], [sflag:$0x3] =	stream.linear.gather [hbm4b:s29+s3], $0x4E8, $0x38;
	[tilespmem:$0x1E378] =	vst v63  }
0x57: {  	_ = 	snop  }
0x58: {  	[hbm4b:s2+s11] =	stream.indirect.scatter [tilespmem:s18], [sflag:$0x9], $0x20, s8, s11, $0xb8;
	[tilespmem:$0x1E378] =	vst v63  }
0x59: {  	_ =	swait.ge [sflag:s13], $0x4E8  }
0x5a: {  	[sflag:s13] =	ssyncset.done $0x0  }
0x5b: {  	[sflag:s13] =	ssyncadd.s32 $0xFFFFFB18  }
0x5c: {  	_ =	swait.ge [sflag:s24], $0x9C40  }
0x5d: {  	[sflag:s24] =	ssyncset.done $0x0  }
0x5e: {  	[sflag:s24] =	ssyncadd.s32 $0xFFFF63C0  }
0x5f: {  	[tilespmem:s14], [sflag:$0x5] =	stream.indirect.gather [hbm4b:s10+s11], $0x20, s6, s11, $0xb8;
	[tilespmem:$0x1E378] =	vst v63  }
0x60: {  	_ =	swait.ge [sflag:s15], $0x9C40  }
0x61: {  	[sflag:s15] =	ssyncset.done $0x0  }
0x62: {  	s30 =	sadd.s32 $0xB0A0, s30;
	[sflag:s15] =	ssyncadd.s32 $0xFFFF63C0  }
0x63: {  	[tilespmem:s3], [sflag:$0x1] =	stream.linear.gather [hbm4b:s30+s3], $0x4E8, $0x38;
	[tilespmem:$0x1E378] =	vst v63  }
0x64: {  	_ = 	snop  }
0x65: {  	[hbm4b:s2+s11] =	stream.indirect.scatter [tilespmem:s12], [sflag:$0x7], $0x20, s3, s11, $0xb8;
	[tilespmem:$0x1E378] =	vst v63  }
0x66: {  	_ =	swait.ge [sflag:s17], $0x4E8  }
0x67: {  	[sflag:s17] =	ssyncset.done $0x0  }
0x68: {  	[sflag:s17] =	ssyncadd.s32 $0xFFFFFB18  }
0x69: {  	_ =	swait.ge [sflag:s26], $0x9C40  }
0x6a: {  	[sflag:s26] =	ssyncset.done $0x0  }
0x6b: {  	[sflag:s26] =	ssyncadd.s32 $0xFFFF63C0  }
0x6c: {  	[tilespmem:s18], [sflag:$0x6] =	stream.indirect.gather [hbm4b:s10+s11], $0x20, s8, s11, $0xb8;
	[tilespmem:$0x1E378] =	vst v63  }
0x6d: {  	_ =	swait.ge [sflag:s19], $0x9C40  }
0x6e: {  	[sflag:s19] =	ssyncset.done $0x0  }
0x6f: {  	[sflag:s19] =	ssyncadd.s32 $0xFFFF63C0  }
0x70: {  	[hbm4b:s2+s11] =	stream.indirect.scatter [tilespmem:s14], [sflag:$0x8], $0x20, s6, s11, $0xb8;
	[tilespmem:$0x1E378] =	vst v63  }
0x71: {  	_ =	swait.ge [sflag:s9], $0x4E8  }
0x72: {  	[sflag:s9] =	ssyncset.done $0x0  }
0x73: {  	[sflag:s9] =	ssyncadd.s32 $0xFFFFFB18  }
0x74: {  	_ =	swait.ge [sflag:s21], $0x9C40  }
0x75: {  	[sflag:s21] =	ssyncset.done $0x0  }
0x76: {  	[sflag:s21] =	ssyncadd.s32 $0xFFFF63C0  }
0x77: {  	[tilespmem:s12], [sflag:$0x4] =	stream.indirect.gather [hbm4b:s10+s11], $0x20, s3, s11, $0xb8;
	[tilespmem:$0x1E378] =	vst v63  }
0x78: {  	_ =	swait.ge [sflag:s22], $0x9C40  }
0x79: {  	[sflag:s22] =	ssyncset.done $0x0  }
0x7a: {  	[sflag:s22] =	ssyncadd.s32 $0xFFFF63C0  }
0x7b: {  	[hbm4b:s2+s11] =	stream.indirect.scatter [tilespmem:s18], [sflag:$0x9], $0x20, s8, s11, $0xb8;
	[tilespmem:$0x1E378] =	vst v63  }
0x7c: {  	_ =	swait.ge [sflag:s15], $0x9C40  }
0x7d: {  	s31 =	ssub.s32 $0x2, s31;
	[sflag:s15] =	ssyncset.done $0x0  }
0x7e: {  	s1 =	sshrl.u32 s31, $0x1;
	[sflag:s15] =	ssyncadd.s32 $0xFFFF63C0  }
0x7f: {  	[hbm4b:s2+s11] =	stream.indirect.scatter [tilespmem:s12], [sflag:$0x7], $0x20, s3, s11, $0xb8;
	[tilespmem:$0x1E378] =	vst v63  }
0x80: {  	s1 =	ssub.s32 s31, s1;
	_ =	swait.ge [sflag:s21], $0x9C40  }
0x81: {  	s1 =	smax.u32 s1, $0x1;
	[sflag:s21] =	ssyncset.done $0x0  }
0x82: {  	p0 =	sne.s32 s1, $0x1;
	[sflag:s21] =	ssyncadd.s32 $0xFFFF63C0  }
.Ltmp0:
0x83: {  	_ =	swait.ge [sflag:s24], $0x9C40;
	(pc) =	sbr.rel @!p0 .LBB2_2-.Ltmp0, $4  }
0x84: {  	[sflag:s24] =	ssyncset.done $0x0  }
0x85: {  	[sflag:s24] =	ssyncadd.s32 $0xFFFF63C0  }
0x86: {  	_ =	swait.ge [sflag:s26], $0x9C40  }
0x87: {  	s31 =	sadd.s32 $0xFFFFFFFF, s1;
	[sflag:s26] =	ssyncset.done $0x0  }
.LBB2_1:
0x88: {  	p0 =	sne.s32 s31, $0x1;
	s31 =	sadd.s32 $0xFFFFFFFF, s31;
	[sflag:s26] =	ssyncadd.s32 $0xFFFF63C0  }
0x89: {  	[tilespmem:s3], [sflag:$0x1] =	stream.linear.gather [hbm4b:s4+s3], $0x4E8, $0x38;
	[tilespmem:$0x1E378] =	vst v63  }
0x8a: {  	_ = 	snop  }
0x8b: {  	[tilespmem:s6], [sflag:$0x2] =	stream.linear.gather [hbm4b:s5+s3], $0x4E8, $0x38;
	[tilespmem:$0x1E378] =	vst v63  }
0x8c: {  	_ = 	snop  }
0x8d: {  	[tilespmem:s8], [sflag:$0x3] =	stream.linear.gather [hbm4b:s7+s3], $0x4E8, $0x38;
	[tilespmem:$0x1E378] =	vst v63  }
0x8e: {  	_ =	swait.ge [sflag:s9], $0x4E8  }
0x8f: {  	[sflag:s9] =	ssyncset.done $0x0  }
0x90: {  	[sflag:s9] =	ssyncadd.s32 $0xFFFFFB18  }
0x91: {  	[tilespmem:s12], [sflag:$0x4] =	stream.indirect.gather [hbm4b:s10+s11], $0x20, s3, s11, $0xb8;
	[tilespmem:$0x1E378] =	vst v63  }
0x92: {  	_ =	swait.ge [sflag:s13], $0x4E8  }
0x93: {  	[sflag:s13] =	ssyncset.done $0x0  }
0x94: {  	[sflag:s13] =	ssyncadd.s32 $0xFFFFFB18  }
0x95: {  	[tilespmem:s14], [sflag:$0x5] =	stream.indirect.gather [hbm4b:s10+s11], $0x20, s6, s11, $0xb8;
	[tilespmem:$0x1E378] =	vst v63  }
0x96: {  	_ =	swait.ge [sflag:s15], $0x9C40  }
0x97: {  	[sflag:s15] =	ssyncset.done $0x0  }
0x98: {  	[sflag:s15] =	ssyncadd.s32 $0xFFFF63C0  }
0x99: {  	[tilespmem:s3], [sflag:$0x1] =	stream.linear.gather [hbm4b:s16+s3], $0x4E8, $0x38;
	[tilespmem:$0x1E378] =	vst v63  }
0x9a: {  	_ = 	snop  }
0x9b: {  	[hbm4b:s2+s11] =	stream.indirect.scatter [tilespmem:s12], [sflag:$0x7], $0x20, s3, s11, $0xb8;
	[tilespmem:$0x1E378] =	vst v63  }
0x9c: {  	_ =	swait.ge [sflag:s17], $0x4E8  }
0x9d: {  	[sflag:s17] =	ssyncset.done $0x0  }
0x9e: {  	[sflag:s17] =	ssyncadd.s32 $0xFFFFFB18  }
0x9f: {  	[tilespmem:s18], [sflag:$0x6] =	stream.indirect.gather [hbm4b:s10+s11], $0x20, s8, s11, $0xb8;
	[tilespmem:$0x1E378] =	vst v63  }
0xa0: {  	_ =	swait.ge [sflag:s19], $0x9C40  }
0xa1: {  	[sflag:s19] =	ssyncset.done $0x0  }
0xa2: {  	[sflag:s19] =	ssyncadd.s32 $0xFFFF63C0  }
0xa3: {  	[tilespmem:s6], [sflag:$0x2] =	stream.linear.gather [hbm4b:s20+s3], $0x4E8, $0x38;
	[tilespmem:$0x1E378] =	vst v63  }
0xa4: {  	_ = 	snop  }
0xa5: {  	[hbm4b:s2+s11] =	stream.indirect.scatter [tilespmem:s14], [sflag:$0x8], $0x20, s6, s11, $0xb8;
	[tilespmem:$0x1E378] =	vst v63  }
0xa6: {  	_ =	swait.ge [sflag:s9], $0x4E8  }
0xa7: {  	[sflag:s9] =	ssyncset.done $0x0  }
0xa8: {  	[sflag:s9] =	ssyncadd.s32 $0xFFFFFB18  }
0xa9: {  	_ =	swait.ge [sflag:s21], $0x9C40  }
0xaa: {  	[sflag:s21] =	ssyncset.done $0x0  }
0xab: {  	[sflag:s21] =	ssyncadd.s32 $0xFFFF63C0  }
0xac: {  	[tilespmem:s12], [sflag:$0x4] =	stream.indirect.gather [hbm4b:s10+s11], $0x20, s3, s11, $0xb8;
	[tilespmem:$0x1E378] =	vst v63  }
0xad: {  	_ =	swait.ge [sflag:s22], $0x9C40  }
0xae: {  	[sflag:s22] =	ssyncset.done $0x0  }
0xaf: {  	[sflag:s22] =	ssyncadd.s32 $0xFFFF63C0  }
0xb0: {  	[tilespmem:s8], [sflag:$0x3] =	stream.linear.gather [hbm4b:s23+s3], $0x4E8, $0x38;
	[tilespmem:$0x1E378] =	vst v63  }
0xb1: {  	_ = 	snop  }
0xb2: {  	[hbm4b:s2+s11] =	stream.indirect.scatter [tilespmem:s18], [sflag:$0x9], $0x20, s8, s11, $0xb8;
	[tilespmem:$0x1E378] =	vst v63  }
0xb3: {  	_ =	swait.ge [sflag:s13], $0x4E8  }
0xb4: {  	[sflag:s13] =	ssyncset.done $0x0  }
0xb5: {  	[sflag:s13] =	ssyncadd.s32 $0xFFFFFB18  }
0xb6: {  	_ =	swait.ge [sflag:s24], $0x9C40  }
0xb7: {  	[sflag:s24] =	ssyncset.done $0x0  }
0xb8: {  	[sflag:s24] =	ssyncadd.s32 $0xFFFF63C0  }
0xb9: {  	[tilespmem:s14], [sflag:$0x5] =	stream.indirect.gather [hbm4b:s10+s11], $0x20, s6, s11, $0xb8;
	[tilespmem:$0x1E378] =	vst v63  }
0xba: {  	_ =	swait.ge [sflag:s15], $0x9C40  }
0xbb: {  	[sflag:s15] =	ssyncset.done $0x0  }
0xbc: {  	[sflag:s15] =	ssyncadd.s32 $0xFFFF63C0  }
0xbd: {  	[tilespmem:s3], [sflag:$0x1] =	stream.linear.gather [hbm4b:s25+s3], $0x4E8, $0x38;
	[tilespmem:$0x1E378] =	vst v63  }
0xbe: {  	_ = 	snop  }
0xbf: {  	[hbm4b:s2+s11] =	stream.indirect.scatter [tilespmem:s12], [sflag:$0x7], $0x20, s3, s11, $0xb8;
	[tilespmem:$0x1E378] =	vst v63  }
0xc0: {  	_ =	swait.ge [sflag:s17], $0x4E8  }
0xc1: {  	[sflag:s17] =	ssyncset.done $0x0  }
0xc2: {  	[sflag:s17] =	ssyncadd.s32 $0xFFFFFB18  }
0xc3: {  	_ =	swait.ge [sflag:s26], $0x9C40  }
0xc4: {  	[sflag:s26] =	ssyncset.done $0x0  }
0xc5: {  	[sflag:s26] =	ssyncadd.s32 $0xFFFF63C0  }
0xc6: {  	[tilespmem:s18], [sflag:$0x6] =	stream.indirect.gather [hbm4b:s10+s11], $0x20, s8, s11, $0xb8;
	[tilespmem:$0x1E378] =	vst v63  }
0xc7: {  	_ =	swait.ge [sflag:s19], $0x9C40  }
0xc8: {  	[sflag:s19] =	ssyncset.done $0x0  }
0xc9: {  	[sflag:s19] =	ssyncadd.s32 $0xFFFF63C0  }
0xca: {  	[tilespmem:s6], [sflag:$0x2] =	stream.linear.gather [hbm4b:s28+s3], $0x4E8, $0x38;
	[tilespmem:$0x1E378] =	vst v63  }
0xcb: {  	_ = 	snop  }
0xcc: {  	[hbm4b:s2+s11] =	stream.indirect.scatter [tilespmem:s14], [sflag:$0x8], $0x20, s6, s11, $0xb8;
	[tilespmem:$0x1E378] =	vst v63  }
0xcd: {  	_ =	swait.ge [sflag:s9], $0x4E8  }
0xce: {  	[sflag:s9] =	ssyncset.done $0x0  }
0xcf: {  	[sflag:s9] =	ssyncadd.s32 $0xFFFFFB18  }
0xd0: {  	_ =	swait.ge [sflag:s21], $0x9C40  }
0xd1: {  	[sflag:s21] =	ssyncset.done $0x0  }
0xd2: {  	[sflag:s21] =	ssyncadd.s32 $0xFFFF63C0  }
0xd3: {  	[tilespmem:s12], [sflag:$0x4] =	stream.indirect.gather [hbm4b:s10+s11], $0x20, s3, s11, $0xb8;
	[tilespmem:$0x1E378] =	vst v63  }
0xd4: {  	_ =	swait.ge [sflag:s22], $0x9C40  }
0xd5: {  	[sflag:s22] =	ssyncset.done $0x0  }
0xd6: {  	[sflag:s22] =	ssyncadd.s32 $0xFFFF63C0  }
0xd7: {  	[tilespmem:s8], [sflag:$0x3] =	stream.linear.gather [hbm4b:s29+s3], $0x4E8, $0x38;
	[tilespmem:$0x1E378] =	vst v63  }
0xd8: {  	_ = 	snop  }
0xd9: {  	[hbm4b:s2+s11] =	stream.indirect.scatter [tilespmem:s18], [sflag:$0x9], $0x20, s8, s11, $0xb8;
	[tilespmem:$0x1E378] =	vst v63  }
0xda: {  	_ =	swait.ge [sflag:s13], $0x4E8  }
0xdb: {  	[sflag:s13] =	ssyncset.done $0x0  }
0xdc: {  	[sflag:s13] =	ssyncadd.s32 $0xFFFFFB18  }
0xdd: {  	_ =	swait.ge [sflag:s24], $0x9C40  }
0xde: {  	[sflag:s24] =	ssyncset.done $0x0  }
0xdf: {  	[sflag:s24] =	ssyncadd.s32 $0xFFFF63C0  }
0xe0: {  	[tilespmem:s14], [sflag:$0x5] =	stream.indirect.gather [hbm4b:s10+s11], $0x20, s6, s11, $0xb8;
	[tilespmem:$0x1E378] =	vst v63  }
0xe1: {  	_ =	swait.ge [sflag:s15], $0x9C40  }
0xe2: {  	[sflag:s15] =	ssyncset.done $0x0  }
0xe3: {  	[sflag:s15] =	ssyncadd.s32 $0xFFFF63C0  }
0xe4: {  	[tilespmem:s3], [sflag:$0x1] =	stream.linear.gather [hbm4b:s30+s3], $0x4E8, $0x38;
	[tilespmem:$0x1E378] =	vst v63  }
0xe5: {  	_ = 	snop  }
0xe6: {  	[hbm4b:s2+s11] =	stream.indirect.scatter [tilespmem:s12], [sflag:$0x7], $0x20, s3, s11, $0xb8;
	[tilespmem:$0x1E378] =	vst v63  }
0xe7: {  	_ =	swait.ge [sflag:s17], $0x4E8  }
0xe8: {  	[sflag:s17] =	ssyncset.done $0x0  }
0xe9: {  	[sflag:s17] =	ssyncadd.s32 $0xFFFFFB18  }
0xea: {  	_ =	swait.ge [sflag:s26], $0x9C40  }
0xeb: {  	[sflag:s26] =	ssyncset.done $0x0  }
0xec: {  	[sflag:s26] =	ssyncadd.s32 $0xFFFF63C0  }
0xed: {  	[tilespmem:s18], [sflag:$0x6] =	stream.indirect.gather [hbm4b:s10+s11], $0x20, s8, s11, $0xb8;
	[tilespmem:$0x1E378] =	vst v63  }
0xee: {  	_ =	swait.ge [sflag:s19], $0x9C40  }
0xef: {  	[sflag:s19] =	ssyncset.done $0x0  }
0xf0: {  	[sflag:s19] =	ssyncadd.s32 $0xFFFF63C0  }
0xf1: {  	[hbm4b:s2+s11] =	stream.indirect.scatter [tilespmem:s14], [sflag:$0x8], $0x20, s6, s11, $0xb8;
	[tilespmem:$0x1E378] =	vst v63  }
0xf2: {  	_ =	swait.ge [sflag:s9], $0x4E8  }
0xf3: {  	[sflag:s9] =	ssyncset.done $0x0  }
0xf4: {  	[sflag:s9] =	ssyncadd.s32 $0xFFFFFB18  }
0xf5: {  	_ =	swait.ge [sflag:s21], $0x9C40  }
0xf6: {  	[sflag:s21] =	ssyncset.done $0x0  }
0xf7: {  	[sflag:s21] =	ssyncadd.s32 $0xFFFF63C0  }
0xf8: {  	[tilespmem:s12], [sflag:$0x4] =	stream.indirect.gather [hbm4b:s10+s11], $0x20, s3, s11, $0xb8;
	[tilespmem:$0x1E378] =	vst v63  }
0xf9: {  	_ =	swait.ge [sflag:s22], $0x9C40  }
0xfa: {  	[sflag:s22] =	ssyncset.done $0x0  }
0xfb: {  	[sflag:s22] =	ssyncadd.s32 $0xFFFF63C0  }
0xfc: {  	[hbm4b:s2+s11] =	stream.indirect.scatter [tilespmem:s18], [sflag:$0x9], $0x20, s8, s11, $0xb8;
	[tilespmem:$0x1E378] =	vst v63  }
0xfd: {  	_ =	swait.ge [sflag:s15], $0x9C40  }
0xfe: {  	[sflag:s15] =	ssyncset.done $0x0  }
0xff: {  	[sflag:s15] =	ssyncadd.s32 $0xFFFF63C0  }
0x100: {  	[hbm4b:s2+s11] =	stream.indirect.scatter [tilespmem:s12], [sflag:$0x7], $0x20, s3, s11, $0xb8;
	[tilespmem:$0x1E378] =	vst v63  }
0x101: {  	_ =	swait.ge [sflag:s21], $0x9C40  }
0x102: {  	[sflag:s21] =	ssyncset.done $0x0  }
0x103: {  	[sflag:s21] =	ssyncadd.s32 $0xFFFF63C0  }
.Ltmp1:
0x104: {  	_ =	swait.ge [sflag:s24], $0x9C40;
	(pc) =	sbr.rel @p0 .LBB2_1-.Ltmp1, $4  }
0x105: {  	[sflag:s24] =	ssyncset.done $0x0  }
0x106: {  	[sflag:s24] =	ssyncadd.s32 $0xFFFF63C0  }
0x107: {  	_ =	swait.ge [sflag:s26], $0x9C40  }
0x108: {  	[sflag:s26] =	ssyncset.done $0x0  }
.LBB2_2:
0x109: {  	[sflag:s26] =	ssyncadd.s32 $0xFFFF63C0  }
0x10a: {  	_ =	sfence.sel $0x180000  }
0x10b: {  	[bflag:$0x0] =	sbarrier.arrive $0xFFFF  }
0x10c: {  	_ =	strace $0x90000047  }
0x10d: {  	[bflag:$0x2] =	sbarrier.arrive $0xFFFF  }
0x10e: {  	p0 =	sne.s32 s0, $0x0;
	s0 =	rddreg [dreg:$0x2]  }
0x10f: {  	s0 =	sadd.s32 @!p0 $0x100000, s0  }
0x110: {  	[sflag:s0] =	ssyncadd.tile.s32 @!p0 $0x1;
	_ =	shalt  }
.Lfunc_end2:
_tile_overlayer_lowered:
.L_overlay_start_2:
0x111: {  	(tag) =	ssettag $0x2  }
0x112: {  	s0 =	rddreg [dreg:$0x0];
	s2 =	stileid.u32  }
0x113: {  	s1 =	rddreg [dreg:$0x1];
	p0 =	sne.s32 s2, $0x0  }
0x114: {  	s3 =	rddreg [dreg:$0x2];
	[bflag:$0x3] =	sbarrier.arrive $0xFFFF;
	s2 =	simm.s32 @!p0 $0x1C0A  }
0x115: {  	[timem:s3], [sflag:s2] =	dma.local @!p0 [hbm:s0], s1  }
0x116: {  	s0 =	simm.s32 @!p0 $0xA  }
0x117: {  	_ =	swait.ge @!p0 [sflag:s0], s1  }
0x118: {  	s1 =	ssub.s32 @!p0 $0x0, s1;
	[sflag:s0] =	ssyncset.done @!p0 $0x0  }
0x119: {  	[sflag:s0] =	ssyncadd.s32 @!p0 s1  }
0x11a: {  	[bflag:$0x3] =	sbarrier.arrive $0xFFFF  }
0x11b: {  	_ =	shalt  }

// kernel: sparse-core-data-format-call.cloned.1.call-start
scs
called_computation_lowered:
.L_overlay_start_0:
0x0: {  	s2 =	sld [smem:$0x3FD9]  }
0x1: {  	s3 =	sld [smem:$0x3FFE];
	_ =	sdelay $0x1  }
0x2: {  	s1 =	srdreg.scid  }
0x3: {  	s0 =	sand.u32 $0x1, s1  }
0x4: {  	s18 =	sshll.u32 s0, $0xA;
	s2 =	sadd.s32 s3, s2  }
0x5: {  	s2 =	sadd.s32 s2, s18  }
0x6: {  	[smem:$0x3FC6] =	sst s2  }
0x7: {  	_ = 	snop  }
0x8: {  	s2 =	sld [smem:$0x3FD0];
	(tm) =	ssettm $0x1  }
0x9: {  	s19 =	sld [smem:$0x3FFB];
	_ =	sdelay $0x3  }
0xa: {  	_ =	strace s19  }
0xb: {  	s3 =	sld [smem:$0x3FFC];
	_ =	sdelay $0x3  }
0xc: {  	_ =	strace s3  }
0xd: {  	s3 =	sld [smem:$0x3FFD];
	_ =	sdelay $0x3  }
0xe: {  	_ =	strace s3  }
0xf: {  	_ =	strace $0x8FFFFFFF  }
0x10: {  	s20 =	sld [smem:$0x3FDB];
	_ =	sdelay $0x1  }
0x11: {  	s4 =	simm.s32 $_scs_section_size  }
0x12: {  	s5 =	simm.s32 $_size__tile_overlayer_lowered;
	s6 =	simm.s32 $_tile_overlayer_lowered  }
0x13: {  	s23 =	simm.s32 $0x1BFF;
	s22 =	sshll.u32 s6, $0x1;
	s3 =	sadd.s32 s4, s20  }
0x14: {  	s7 =	simm.s32 $0x0;
	s21 =	sshll.u32 s5, $0x1;
	s5 =	sadd.s32 s22, s3  }
0x15: {  	[timem:s7], [sflag:s23] =	dma.local [hbm:s5], s21  }
0x16: {  	_ =	swait.ge [sflag:s23], s21  }
0x17: {  	s4 =	ssub.s32 $0x0, s21;
	[sflag:s23] =	ssyncset.done $0x0  }
0x18: {  	[sflag:s23] =	ssyncadd.s32 s4;
	_ =	sdelay $0x1  }
0x19: {  	s24 =	simm.s32 $0x1B8B  }
0x1a: {  	_ =	swait.ge [sflag:s24], $0x1  }
0x1b: {  	[sflag:s24] =	ssyncset.done $0x0  }
0x1c: {  	s26 =	simm.s32 $0x1B8E;
	s25 =	sld [smem:$0x3FFE];
	[sflag:s24] =	ssyncadd.s32 $0xFFFFFFFF  }
0x1d: {  	s27 =	simm.s32 $execute0_lowered;
	[smem:$0x3FD2] =	sst s26  }
0x1e: {  	s5 =	sshll.u32 s27, $0x1;
	_ =	strace $0x80000049;
	[dreg:$0x1] =	wrdreg $0xFFFFFFFF  }
0x1f: {  	s28 =	simm.s32 $_size_execute0_lowered;
	s3 =	sadd.s32 s3, s5;
	[dreg:$0x0] =	wrdreg $0x0  }
0x20: {  	s5 =	sshll.u32 s28, $0x1;
	[dreg:$0x2] =	wrdreg s3  }
0x21: {  	[dreg:$0x3] =	wrdreg s5  }
0x22: {  	[dreg:$0x4] =	wrdreg $0xC0  }
0x23: {  	_ =	task [dreg:s7], $0x5FFFF  }
0x24: {  	[dreg:$0x1] =	wrdreg $0xFFFFFFFF  }
0x25: {  	[dreg:$0x0] =	wrdreg $0x60  }
0x26: {  	[dreg:$0x2] =	wrdreg s25  }
0x27: {  	[dreg:$0x3] =	wrdreg s2  }
0x28: {  	[dreg:$0x4] =	wrdreg $0x9  }
0x29: {  	_ =	task.clear_ibuf [dreg:s7], $0x5FFFF;
	_ =	strace $0x90000049  }
0x2a: {  	s29 =	simm.s32 $0x9;
	_ =	strace $0x8000004B  }
0x2b: {  	_ =	swait.ge [sflag:s29], $0x1  }
0x2c: {  	[sflag:s29] =	ssyncadd.s32 $0xFFFFFFFF  }
0x2d: {  	_ =	strace $0x9000004B  }
0x2e: {  	_ =	sfence  }
0x2f: {  	s30 =	sld [smem:$0x0];
	_ =	sdelay $0x2  }
0x30: {  	s31 =	sshll.u32 s1, $0xD;
	s1 =	sshrl.u32 s1, $0x2  }
0x31: {  	s3 =	sand.u32 $0x4000, s31;
	s1 =	sadd.s32 s1, s30  }
0x32: {  	s0 =	sor.u32 s3, s0;
	s1 =	sshll.u32 s1, $0x11  }
0x33: {  	s0 =	sor.u32 s1, s0  }
0x34: {  	s0 =	sadd.s32 $0x8F2B, s0  }
0x35: {  	[sflag:s0] =	ssyncadd.remote.s32 $0x1  }
0x36: {  	_ =	sfence.sel $0xFFFF  }
0x37: {  	[dreg:$0x0] =	wrdreg $0xFFFFFFFF;
	(pc) =	sbr.abs _section_cstart, $3  }
0x38: {  	[dreg:$0x1] =	wrdreg $0xFFFFFFFF  }
0x39: {  	_ =	task.clear_ibuf [dreg:s7], $0x2FFFF;
	_ =	strace $0x9FFFFFFF  }
0x3a: {  	(tm) =	ssettm $0x7FFFFFFF  }
0x3b: {  	_ =	shalt  }
tec
execute0_lowered:
.L_overlay_start_1:
0x0: {  	(tag) =	ssettag $0x1  }
0x1: {  	s0 =	srdreg.scid  }
0x2: {  	s1 =	sshll.u32 s0, $0x4  }
0x3: {  	s4 =	rddreg [dreg:$0x0];
	s0 =	stileid.u32;
	s1 =	sand.u32 $0x10, s1  }
0x4: {  	s2 =	rddreg [dreg:$0x1];
	s7 =	simm.s32 $0x1;
	s1 =	sor.u32 s0, s1  }
0x5: {  	s8 =	simm.s32 $0x2;
	s11 =	simm.s32 $0x0;
	s3 =	sshll.u32 s1, $0x7  }
0x6: {  	s10 =	simm.s32 $0x0;
	s4 =	sadd.s32 $0x800, s4;
	s6 =	ssub.s32 $0x61A80, s3  }
.Ltmp0:
0x7: {  	s1 =	rddreg [dreg:$0x2];
	s5 =	sand.u32 $0xF80, s6;
	(pc) =	sbr.rel .LBB1_1-.Ltmp0, $4  }
0x8: {  	_ =	strace $0x8000004A;
	s9 =	smov.u32 s3;
	p0 =	sne.s32 s5, $0x0  }
0x9: {  	s6 =	sshrl.u32 s6, $0xC;
	s5 =	simm.s32 $0x1;
	s7 =	simm.s32 @!p0 $0x0  }
0xa: {  	[sflag:s5] =	ssyncpa.u1 $0x0;
	p0 =	por $0x0, $0x0;
	s6 =	sadd.s32 s7, s6  }
0xb: {  	[sflag:s8] =	ssyncpa.u1 $0x0;
	s8 =	simm.s32 $0x30D400;
	s7 =	sadd.s32 $0x1, s6  }
.LBB1_4:
0xc: {  	s14 =	sshll.u32 s11, $0x3  }
0xd: {  	s14 =	sand.u32 $0xFFFFFC00, s14  }
0xe: {  	s15 =	sshrl.u32 s14, $0x7  }
0xf: {  	s15 =	smulhi.u32 $0x14F8B59, s15;
	_ =	sdelay $0x1  }
0x10: {  	s15 =	sshrl.u32 s15, $0x4  }
0x11: {  	s28 =	sand.u32 $0x7F, s11;
	s16 =	smul.u32 $0x61A80, s15  }
0x12: {  	s11 =	sor.u32 s28, s14  }
0x13: {  	s29 =	sand.u32 $0x1F, s15;
	s11 =	ssub.s32 s11, s16  }
0x14: {  	s14 =	smul.u32 $0xC350, s29;
	s30 =	sshrl.u32 s11, $0x3;
	s11 =	sand.u32 $0x7, s11  }
0x15: {  	s15 =	sadd.s32 s2, s30;
	s11 =	sshll.u32 s11, $0x12  }
0x16: {  	[tilespmem:s13+$0x0 ss:$0x81] =	vst.msk $0xffff, v0;
	s31 =	sadd.s32 s14, s15;
	s11 =	sor.u32 $0x400, s11  }
0x17: {  	[hbm4b:s31+s11] =	stream.strided.scatter [tilespmem:s12], [sflag:$0x2], $0x1000, s8, s11, $0x20;
	[tilespmem:$0x4040] =	vst v63  }
.LBB1_5:
0x18: {  	s13 =	sadd.s32 $0x1000, s9  }
0x19: {  	p2 =	sgt.s32 s13, $0x61A7F  }
0x1a: {  	s13 =	smov.u32 @p2 s3;
	p2 =	sne.s32 s10, s7  }
.Ltmp1:
0x1b: {  	p1 =	slt.u32 s10, $0x2;
	(pc) =	sbr.rel @!p2 .LBB1_6-.Ltmp1, $4  }
0x1c: {  	s12 =	simm.s32 @!p1 $0x2  }
0x1d: {  	s14 =	sadd.s32 $0x1, s10;
	_ =	swait.ge @!p1 [sflag:s12], $0x1000  }
0x1e: {  	s11 =	smov.u32 s9;
	p0 =	por !p0, !p0;
	[sflag:s12] =	ssyncset.done @!p1 $0x0  }
0x1f: {  	s10 =	smov.u32 s14;
	s9 =	smov.u32 s13;
	[sflag:s12] =	ssyncadd.s32 @!p1 $0xFFFFF000  }
.LBB1_1:
0x20: {  	p1 =	sge.u32 s10, s6  }
0x21: {  	s12 =	sand.u32 @!p1 $0x1FFFFFF, s9  }
0x22: {  	s13 =	smulhi.u32 @!p1 $0x14F8B59, s12;
	_ =	sdelay $0x1  }
0x23: {  	s13 =	sshrl.u32 @!p1 s13, $0xB  }
0x24: {  	s13 =	smul.u32 @!p1 $0x61A80, s13;
	_ =	sdelay $0x1  }
0x25: {  	s31 =	sadd.s32 $0xFFFFFFFF, s10;
	s14 =	sxor.u32 @!p1 $0xFFFFFFFF, s10;
	s12 =	ssub.s32 @!p1 s12, s13  }
0x26: {  	s15 =	simm.s32 @!p1 $0x80;
	s14 =	sshll.u32 @!p1 s14, $0xC;
	s12 =	sshll.u32 @!p1 s12, $0x4  }
0x27: {  	s13 =	sand.u32 @!p1 $0x1000, s14;
	s14 =	simm.s32 @!p1 $0x20;
	s12 =	sadd.s32 @!p1 s4, s12  }
0x28: {  	[tilespmem:s13], [sflag:$0x1] =	stream.strided.gather @!p1 [hbm4b:s12+s14], $0x1000, s15, s14, $0x38;
	[tilespmem:$0x4040] =	vst v63  }
0x29: {  	p1 =	sge.u32 s31, s6  }
.Ltmp2:
0x2a: {  	_ = 	snop;
	(pc) =	sbr.rel @p1 .LBB1_5-.Ltmp2, $1  }
0x2b: {  	_ =	sdelay $0x3  }
0x2c: {  	s12 =	simm.s32 $0x1  }
0x2d: {  	_ =	swait.ge [sflag:s5], $0x1000;
	s12 =	simm.s32 @!p0 $0x0  }
0x2e: {  	[sflag:s5] =	ssyncset.done $0x0;
	s13 =	sshll.u32 s12, $0xC  }
0x2f: {  	[sflag:s5] =	ssyncadd.s32 $0xFFFFF000;
	s16 =	sor.u32 $0x10, s13  }
0x30: {  	s12 =	smul.u32 $0x4080, s12;
	v1 =	vld [tilespmem:s16+$0x0]  }
0x31: {  	s30 =	sand.u32 $0x1, s10;
	v0 =	vld [tilespmem:s16+$0xFFFFFFF0]  }
0x32: {  	s13 =	smul.u32 $0x4080, s30;
	s12 =	sshrl.u32 s12, $0x2  }
0x33: {  	s14 =	sor.u32 $0x2000, s12  }
0x34: {  	s31 =	sshrl.u32 s13, $0x2;
	s13 =	sadd.s32 $0x0, s14  }
0x35: {  	s15 =	simm.s32 $0x4;
	s16 =	sadd.s32 $0x20, s16;
	s12 =	sor.u32 $0x2000, s31;
	[tilespmem:s13+$0x810 ss:$0x81] =	vst.msk $0xffff, v1  }
.LBB1_3:
0x36: {  	v1 =	vld [tilespmem:s16+$0x0];
	p1 =	sne.s32 s15, $0x1FC;
	[tilespmem:s13+$0x0 ss:$0x81] =	vst.msk $0xffff, v0;
	s13 =	smov.u32 s15;
	s15 =	sadd.s32 $0x4, s15  }
.Ltmp3:
0x37: {  	v0 =	vld [tilespmem:s16+$0xFFFFFFF0];
	(pc) =	sbr.rel @p1 .LBB1_3-.Ltmp3, $4  }
0x38: {  	_ = 	snop  }
0x39: {  	s13 =	sshra.s32 s13, $0x2  }
0x3a: {  	s13 =	sadd.s32 s13, s14  }
0x3b: {  	s16 =	sadd.s32 $0x20, s16;
	[tilespmem:s13+$0x810 ss:$0x81] =	vst.msk $0xffff, v1  }
.Ltmp4:
0x3c: {  	_ = 	snop;
	(pc) =	sbr.rel .LBB1_4-.Ltmp4, $1  }
0x3d: {  	_ =	sdelay $0x3  }
.LBB1_6:
0x3e: {  	_ =	sfence.sel $0x180000  }
0x3f: {  	s2 =	simm.s32 $0x1;
	[bflag:$0x0] =	sbarrier.arrive $0xFFFF  }
0x40: {  	s31 =	simm.s32 $0x2;
	[sflag:s2] =	ssyncpa.u1 $0x1  }
0x41: {  	[sflag:s31] =	ssyncpa.u1 $0x1  }
0x42: {  	p0 =	sne.s32 s0, $0x0;
	_ =	strace $0x9000004A  }
0x43: {  	s0 =	sadd.s32 @!p0 $0x100000, s1;
	[bflag:$0x2] =	sbarrier.arrive $0xFFFF  }
0x44: {  	[sflag:s0] =	ssyncadd.tile.s32 @!p0 $0x1;
	_ =	shalt  }
.Lfunc_end1:
_tile_overlayer_lowered:
.L_overlay_start_2:
0x45: {  	(tag) =	ssettag $0x2  }
0x46: {  	s0 =	rddreg [dreg:$0x0];
	s2 =	stileid.u32  }
0x47: {  	s1 =	rddreg [dreg:$0x1];
	p0 =	sne.s32 s2, $0x0  }
0x48: {  	s3 =	rddreg [dreg:$0x2];
	[bflag:$0x3] =	sbarrier.arrive $0xFFFF;
	s2 =	simm.s32 @!p0 $0x1C01  }
0x49: {  	[timem:s3], [sflag:s2] =	dma.local @!p0 [hbm:s0], s1  }
0x4a: {  	s0 =	simm.s32 @!p0 $0x1  }
0x4b: {  	_ =	swait.ge @!p0 [sflag:s0], s1  }
0x4c: {  	s1 =	ssub.s32 @!p0 $0x0, s1;
	[sflag:s0] =	ssyncset.done @!p0 $0x0  }
0x4d: {  	[sflag:s0] =	ssyncadd.s32 @!p0 s1  }
0x4e: {  	[bflag:$0x3] =	sbarrier.arrive $0xFFFF  }
0x4f: {  	_ =	shalt  }

</sc_bundles>
